<compile_context>
chip_gen: v7x
topology: tpu7x:2x2x1
jax: 0.10.2.dev20260603
libtpu: 0.0.44.dev20260713+nightly
codegen_flags: <defaults>
</compile_context>

<pallas_src>
import functools

import jax
import jax.numpy as jnp
from jax import lax
from jax.experimental import pallas as pl
from jax.experimental.pallas import tpu as pltpu
from jax.experimental.pallas import tpu_sc as plsc

N = 10000
NPAD = 10240
F = 128
G = 16
NLAYERS = 4
BLK = 1024
NBLK = NPAD // BLK
CHUNK = 128
NC = 2
NS = 16
NW = NC * NS
RPT = NPAD // NS

@functools.lru_cache(maxsize=1)
def _sc_kernels():
    mesh = plsc.VectorSubcoreMesh(core_axis_name="c", subcore_axis_name="s")

    @functools.partial(
        pl.kernel,
        mesh=mesh,
        out_type=jax.ShapeDtypeStruct((NC, NPAD, F), jnp.float32),
        scratch_types=[
            pltpu.VMEM((CHUNK,), jnp.int32),
            pltpu.VMEM((CHUNK, F), jnp.float32),
            pltpu.VMEM_SHARED((NPAD, F), jnp.float32),
        ],
    )
    def _deg_sc(dst_hbm, ones_hbm, zeros_hbm, cnt_hbm, idx_v, ones_v, acc):
        c = lax.axis_index("c")
        s = lax.axis_index("s")
        wid = c * NS + s
        epw = dst_hbm.shape[0] // NW
        pltpu.sync_copy(zeros_hbm, acc.at[pl.ds(s * RPT, RPT)])
        pltpu.sync_copy(ones_hbm, ones_v)
        plsc.subcore_barrier()

        def body(j, carry):
            base = wid * epw + j * CHUNK
            pltpu.sync_copy(dst_hbm.at[pl.ds(base, CHUNK)], idx_v)
            pltpu.sync_copy(ones_v, acc.at[idx_v], add=True)
            return carry

        lax.fori_loop(0, epw // CHUNK, body, 0)
        plsc.subcore_barrier()
        pltpu.sync_copy(acc.at[pl.ds(s * RPT, RPT)],
                        cnt_hbm.at[c, pl.ds(s * RPT, RPT)])

    @functools.partial(
        pl.kernel,
        mesh=mesh,
        out_type=jax.ShapeDtypeStruct((NC, NPAD, F), jnp.float32),
        scratch_types=[
            pltpu.VMEM((CHUNK,), jnp.int32),
            pltpu.VMEM((CHUNK,), jnp.int32),
            pltpu.VMEM((CHUNK, F), jnp.float32),
            pltpu.VMEM_SHARED((NPAD, F), jnp.float32),
            pltpu.SemaphoreType.DMA,
        ],
    )
    def _spmm_sc(u_hbm, src_hbm, dst_hbm, zeros_hbm, s_hbm,
                 src_v, dst_v, rows_v, acc, sem):
        c = lax.axis_index("c")
        s = lax.axis_index("s")
        wid = c * NS + s
        epw = src_hbm.shape[0] // NW
        pltpu.sync_copy(zeros_hbm, acc.at[pl.ds(s * RPT, RPT)])
        plsc.subcore_barrier()

        def body(j, carry):
            base = wid * epw + j * CHUNK
            pltpu.sync_copy(src_hbm.at[pl.ds(base, CHUNK)], src_v)
            pltpu.sync_copy(dst_hbm.at[pl.ds(base, CHUNK)], dst_v)
            pltpu.async_copy(u_hbm.at[src_v], rows_v, sem).wait()
            pltpu.sync_copy(rows_v, acc.at[dst_v], add=True)
            return carry

        lax.fori_loop(0, epw // CHUNK, body, 0)
        plsc.subcore_barrier()
        pltpu.sync_copy(acc.at[pl.ds(s * RPT, RPT)],
                        s_hbm.at[c, pl.ds(s * RPT, RPT)])

    return _deg_sc, _spmm_sc


def _dinv_block(cnt_ref, valid):
    cntv = cnt_ref[0, :, 0:1] + cnt_ref[1, :, 0:1]
    return jnp.where(valid, lax.rsqrt(cntv + 1.0), 0.0)


def _enc_body(x_ref, cnt_ref, encW_ref, encb_ref, convW_ref, resW_ref,
              cb_ref, rb_ref, u_ref, v_ref):
    i = pl.program_id(0)
    rows = i * BLK + lax.broadcasted_iota(jnp.int32, (BLK, 1), 0)
    valid = rows < N
    dinv = _dinv_block(cnt_ref, valid)
    x0 = jnp.dot(x_ref[...], encW_ref[...], preferred_element_type=jnp.float32)
    x0 = jnp.where(valid, x0 + encb_ref[...], 0.0)
    xw = jnp.dot(x0, convW_ref[...], preferred_element_type=jnp.float32)
    xr = jnp.dot(x0, resW_ref[...], preferred_element_type=jnp.float32)
    u_ref[...] = dinv * xw
    v_ref[...] = xr - xw + cb_ref[...] + rb_ref[...]


def _layer_body(s_ref, u_ref, v_ref, cnt_ref, convW_ref, resW_ref,
                cb_ref, rb_ref, uo_ref, vo_ref):
    i = pl.program_id(0)
    rows = i * BLK + lax.broadcasted_iota(jnp.int32, (BLK, 1), 0)
    valid = rows < N
    dinv = _dinv_block(cnt_ref, valid)
    z = dinv * (s_ref[0] + s_ref[1] + u_ref[...]) + v_ref[...]
    z = jnp.where(valid, jnp.maximum(z, 0.0), 0.0)
    xw = jnp.dot(z, convW_ref[...], preferred_element_type=jnp.float32)
    xr = jnp.dot(z, resW_ref[...], preferred_element_type=jnp.float32)
    uo_ref[...] = dinv * xw
    vo_ref[...] = xr - xw + cb_ref[...] + rb_ref[...]


def _final_body(s_ref, u_ref, v_ref, cnt_ref, b_ref, decW_ref, decb_ref,
                out_ref, pooled, cntg):
    i = pl.program_id(0)

    @pl.when(i == 0)
    def _init():
        pooled[...] = jnp.zeros((G, F), jnp.float32)
        cntg[...] = jnp.zeros((G, F), jnp.float32)

    rows = i * BLK + lax.broadcasted_iota(jnp.int32, (BLK, 1), 0)
    valid = rows < N
    dinv = _dinv_block(cnt_ref, valid)
    z = dinv * (s_ref[0] + s_ref[1] + u_ref[...]) + v_ref[...]
    z = jnp.where(valid, jnp.maximum(z, 0.0), 0.0)
    bb = b_ref[0]
    gid = lax.broadcasted_iota(jnp.int32, (G, BLK), 0)
    onehot = (bb == gid).astype(jnp.float32)
    pooled[...] = pooled[...] + jnp.dot(onehot, z, preferred_element_type=jnp.float32)
    cntg[...] = cntg[...] + jnp.sum(onehot, axis=1, keepdims=True)

    @pl.when(i == NBLK - 1)
    def _fin():
        out_ref[...] = (jnp.dot(pooled[...], decW_ref[...],
                                preferred_element_type=jnp.float32)
                        + cntg[...][:, 0:1] * decb_ref[...])


_w_spec = pl.BlockSpec((F, F), lambda i: (0, 0))
_b_spec = pl.BlockSpec((1, F), lambda i: (0, 0))
_row_spec = pl.BlockSpec((BLK, F), lambda i: (i, 0))
_cnt_spec = pl.BlockSpec((NC, BLK, F), lambda i: (0, i, 0))
_s_spec = pl.BlockSpec((NC, BLK, F), lambda i: (0, i, 0))
_uv_shape = [jax.ShapeDtypeStruct((NPAD, F), jnp.float32)] * 2

_enc_call = pl.pallas_call(
    _enc_body,
    grid=(NBLK,),
    in_specs=[_row_spec, _cnt_spec, _w_spec, _b_spec, _w_spec, _w_spec,
              _b_spec, _b_spec],
    out_specs=[_row_spec, _row_spec],
    out_shape=_uv_shape,
)

_layer_call = pl.pallas_call(
    _layer_body,
    grid=(NBLK,),
    in_specs=[_s_spec, _row_spec, _row_spec, _cnt_spec, _w_spec, _w_spec,
              _b_spec, _b_spec],
    out_specs=[_row_spec, _row_spec],
    out_shape=_uv_shape,
)

_final_call = pl.pallas_call(
    _final_body,
    grid=(NBLK,),
    in_specs=[_s_spec, _row_spec, _row_spec, _cnt_spec,
              pl.BlockSpec((1, 1, BLK), lambda i: (i, 0, 0)),
              _w_spec, _b_spec],
    out_specs=pl.BlockSpec((G, F), lambda i: (0, 0)),
    out_shape=jax.ShapeDtypeStruct((G, F), jnp.float32),
    scratch_shapes=[pltpu.VMEM((G, F), jnp.float32),
                    pltpu.VMEM((G, F), jnp.float32)],
)


def kernel(x, edge_index, batch, enc_W, enc_b, res_W, res_b, conv_W, conv_b,
           dec_W, dec_b):
    f32 = jnp.float32
    src = edge_index[0].astype(jnp.int32)
    dst = edge_index[1].astype(jnp.int32)
    e = src.shape[0]
    epw = -(-e // (NW * CHUNK)) * CHUNK
    epad = epw * NW
    pad = epad - e
    src_p = jnp.concatenate([src, jnp.full((pad,), N, jnp.int32)])
    dst_p = jnp.concatenate([dst, jnp.full((pad,), N, jnp.int32)])

    onesF = jnp.ones((CHUNK, F), f32)
    zerosF = jnp.zeros((RPT, F), f32)

    _deg_sc, _spmm_sc = _sc_kernels()
    cnt = _deg_sc(dst_p, onesF, zerosF)

    encb2 = enc_b.reshape(1, F).astype(f32)
    cb2 = conv_b.reshape(1, F).astype(f32)
    rb2 = res_b.reshape(1, F).astype(f32)

    U, V = _enc_call(x.astype(f32), cnt, enc_W.astype(f32), encb2,
                     conv_W.astype(f32), res_W.astype(f32), cb2, rb2)
    for _ in range(NLAYERS - 1):
        S = _spmm_sc(U, src_p, dst_p, zerosF)
        U, V = _layer_call(S, U, V, cnt, conv_W.astype(f32),
                           res_W.astype(f32), cb2, rb2)
    S = _spmm_sc(U, src_p, dst_p, zerosF)

    batch_p = jnp.concatenate(
        [batch.astype(jnp.int32), jnp.full((NPAD - N,), G, jnp.int32)]
    ).reshape(NBLK, 1, BLK)
    decW_p = jnp.pad(dec_W.astype(f32), ((0, 0), (0, F - dec_W.shape[1])))
    decb_p = jnp.pad(dec_b.astype(f32), (0, F - dec_b.shape[0])).reshape(1, F)

    out = _final_call(S, U, V, cnt, batch_p, decW_p, decb_p)
    return out[:, 0]

# --- scband reference (transcript-rebuilt; emitter-appended) ---
"""Pipeline reference for scband-graph-con-gcn-53128745451777 (READ-ONLY COPY).

The authoritative reference and input builder live on the scoring server;
editing this copy changes nothing except your own understanding.
"""

import jax, jax.numpy as jnp
import numpy as np

N_NODES = 10000
N_EDGES = 320000
NFEAT = 128
NHID = 128
NCLASS = 1
NLAYERS = 4
NUM_GRAPHS = 16
DT = 1.0
ALPHA = 1.0
GAMMA = 1.0


def setup_inputs(seed: int = 0) -> dict:
    key = jax.random.key(seed)
    ks = jax.random.split(key, 12)
    x = jax.random.normal(ks[0], (N_NODES, NFEAT), dtype=jnp.float32)
    edge_index = jax.random.randint(ks[1], (2, N_EDGES), 0, N_NODES, dtype=jnp.int64)
    batch = jnp.sort(jax.random.randint(ks[2], (N_NODES,), 0, NUM_GRAPHS, dtype=jnp.int64))
    s = 0.05
    enc_W = jax.random.normal(ks[3], (NFEAT, NHID), dtype=jnp.float32) * s
    enc_b = jnp.zeros((NHID,), dtype=jnp.float32)
    res_W = jax.random.normal(ks[4], (NHID, NHID), dtype=jnp.float32) * s
    res_b = jnp.zeros((NHID,), dtype=jnp.float32)
    conv_W = jax.random.normal(ks[5], (NHID, NHID), dtype=jnp.float32) * s
    conv_b = jnp.zeros((NHID,), dtype=jnp.float32)
    dec_W = jax.random.normal(ks[6], (NHID, NCLASS), dtype=jnp.float32) * s
    dec_b = jnp.zeros((NCLASS,), dtype=jnp.float32)
    return {"x": x, "edge_index": edge_index, "batch": batch,
            "enc_W": enc_W, "enc_b": enc_b, "res_W": res_W, "res_b": res_b,
            "conv_W": conv_W, "conv_b": conv_b, "dec_W": dec_W, "dec_b": dec_b}


def _gcn_conv(X, src, dst, norm, conv_W, conv_b, n_nodes):
    # x' = sum_{j in N(i) U {i}} norm_ji * (x_j W) + b  (GCN with symmetric normalization, self-loops)
    xw = X @ conv_W
    msg = xw[src] * norm[:, None]
    out = jnp.zeros((n_nodes, xw.shape[1]), dtype=xw.dtype).at[dst].add(msg)
    return out + conv_b


def reference(x, edge_index, batch, enc_W, enc_b, res_W, res_b, conv_W, conv_b, dec_W, dec_b):
    n_nodes = x.shape[0]
    # add self-loops
    loop = jnp.arange(n_nodes, dtype=edge_index.dtype)
    src = jnp.concatenate([edge_index[0], loop])
    dst = jnp.concatenate([edge_index[1], loop])
    # symmetric degree normalization
    deg = jnp.zeros((n_nodes,), dtype=jnp.float32).at[dst].add(1.0)
    deg_inv_sqrt = jnp.where(deg > 0, deg ** -0.5, 0.0)
    norm = deg_inv_sqrt[src] * deg_inv_sqrt[dst]

    Y = x @ enc_W + enc_b
    X = Y
    for _ in range(NLAYERS):
        conv_out = _gcn_conv(X, src, dst, norm, conv_W, conv_b, n_nodes)
        res = (X @ res_W + res_b) - (X @ conv_W)
        Y = Y + DT * (jax.nn.relu(conv_out + res) - ALPHA * Y - GAMMA * X)
        X = X + DT * Y
    X = X @ dec_W + dec_b
    pooled = jax.ops.segment_sum(X, batch, num_segments=NUM_GRAPHS)
    return pooled.squeeze(-1)

if __name__ == "__main__":
    import jax
    _d = setup_inputs()
    print(jax.jit(kernel)(*tuple(_d.values())))

</pallas_src>

<mosaic_0001>
#map = affine_map<(d0, d1) -> (0, 0)>
#map1 = affine_map<(d0, d1) -> (0)>
#map2 = affine_map<(d0, d1) -> (0, 0, 0)>
module attributes {stable_mosaic.version = 14 : i64} {
  func.func @_spmm_sc(%arg0: i32, %arg1: i32, %arg2: memref<10240x128xf32, #tpu.memory_space<hbm>>, %arg3: memref<323584xi32, #tpu.memory_space<hbm>>, %arg4: memref<323584xi32, #tpu.memory_space<hbm>>, %arg5: memref<640x128xf32, #tpu.memory_space<hbm>>, %arg6: memref<2x10240x128xf32, #tpu.memory_space<hbm>>, %arg7: memref<128xi32, #tpu.memory_space<vmem>>, %arg8: memref<128xi32, #tpu.memory_space<vmem>>, %arg9: memref<128x128xf32, #tpu.memory_space<vmem>>, %arg10: memref<10240x128xf32, #tpu.memory_space<vmem_shared>>, %arg11: memref<!tpu.dma_semaphore, #tpu.memory_space<semaphore_mem>>) attributes {dimension_semantics = [#tpu.dimension_semantics<core_parallel>, #tpu.dimension_semantics<subcore_parallel>], iteration_bounds = array<i64: 2, 16>, scalar_prefetch = 0 : i64, scratch_operands = 5 : i64, tpu.core_type = #tpu.core_type<sc_vector_subcore>, window_params = [{transform_indices = #map}, {transform_indices = #map1}, {transform_indices = #map1}, {transform_indices = #map}, {transform_indices = #map2}]} {
    %mul3A = arith.constant 16 : i32
    %mul3A_0 = arith.muli %arg0, %mul3A : i32
    %add3A = arith.addi %mul3A_0, %arg1 : i32
    %mul3A_1 = arith.constant 640 : i32
    %mul3A_2 = arith.muli %arg1, %mul3A_1 : i32
    "tpu.region"() ({
      %run_scoped3A = tpu.sem_alloc : memref<!tpu.dma_semaphore, #tpu.memory_space<semaphore_mem>>
      %dma_start3A = arith.constant 0 : i32
      %dma_start3A_13 = tpu.memref_slice %arg10[%mul3A_2, %dma_start3A] : memref<10240x128xf32, #tpu.memory_space<vmem_shared>> -> memref<640x128xf32, #tpu.memory_space<vmem_shared>>
      tpu.enqueue_dma source(%arg5 : memref<640x128xf32, #tpu.memory_space<hbm>>) target(%dma_start3A_13 : memref<640x128xf32, #tpu.memory_space<vmem_shared>>) target_semaphore(%run_scoped3A : memref<!tpu.dma_semaphore, #tpu.memory_space<semaphore_mem>>)
      %dma_wait3A = arith.constant 0 : i32
      %dma_wait3A_14 = tpu.memref_slice %arg10[%mul3A_2, %dma_wait3A] : memref<10240x128xf32, #tpu.memory_space<vmem_shared>> -> memref<640x128xf32, #tpu.memory_space<vmem_shared>>
      tpu.wait_dma2 semaphore(%run_scoped3A : memref<!tpu.dma_semaphore, #tpu.memory_space<semaphore_mem>>) src(%arg5 : memref<640x128xf32, #tpu.memory_space<hbm>>) dst(%dma_wait3A_14 : memref<640x128xf32, #tpu.memory_space<vmem_shared>>)
      tpu.yield
    }) : () -> ()
    %barrier3A = arith.constant 0 : index
    tpu.barrier barrier_id(%barrier3A)
    %scan3A = arith.constant 0 : i32
    %scan3A_3 = arith.constant 0 : i32
    %scan3A_4 = arith.constant 79 : i32
    %scan3A_5 = arith.addi %scan3A_3, %scan3A_4 : i32
    %scan3A_6 = arith.constant 1 : i32
    scf.for %scan3A_13 = %scan3A_3 to %scan3A_5 step %scan3A_6  : i32 {
      %mul3A_14 = arith.constant 10112 : i32
      %mul3A_15 = arith.muli %add3A, %mul3A_14 : i32
      %mul3A_16 = arith.constant 128 : i32
      %mul3A_17 = arith.muli %scan3A_13, %mul3A_16 : i32
      %add3A_18 = arith.addi %mul3A_15, %mul3A_17 : i32
      "tpu.region"() ({
        %run_scoped3A = tpu.sem_alloc : memref<!tpu.dma_semaphore, #tpu.memory_space<semaphore_mem>>
        %dma_start3A_23 = tpu.memref_slice %arg3[%add3A_18] : memref<323584xi32, #tpu.memory_space<hbm>> -> memref<128xi32, #tpu.memory_space<hbm>>
        %dma_start3A_24 = tpu.memref_slice %arg3[%add3A_18] : memref<323584xi32, #tpu.memory_space<hbm>> -> memref<128xi32, #tpu.memory_space<hbm>>
        tpu.enqueue_dma source(%dma_start3A_24 : memref<128xi32, #tpu.memory_space<hbm>>) target(%arg7 : memref<128xi32, #tpu.memory_space<vmem>>) target_semaphore(%run_scoped3A : memref<!tpu.dma_semaphore, #tpu.memory_space<semaphore_mem>>)
        %dma_wait3A_25 = tpu.memref_slice %arg3[%add3A_18] : memref<323584xi32, #tpu.memory_space<hbm>> -> memref<128xi32, #tpu.memory_space<hbm>>
        %dma_wait3A_26 = tpu.memref_slice %arg3[%add3A_18] : memref<323584xi32, #tpu.memory_space<hbm>> -> memref<128xi32, #tpu.memory_space<hbm>>
        tpu.wait_dma2 semaphore(%run_scoped3A : memref<!tpu.dma_semaphore, #tpu.memory_space<semaphore_mem>>) src(%dma_wait3A_26 : memref<128xi32, #tpu.memory_space<hbm>>) dst(%arg7 : memref<128xi32, #tpu.memory_space<vmem>>)
        tpu.yield
      }) : () -> ()
      "tpu.region"() ({
        %run_scoped3A = tpu.sem_alloc : memref<!tpu.dma_semaphore, #tpu.memory_space<semaphore_mem>>
        %dma_start3A_23 = tpu.memref_slice %arg4[%add3A_18] : memref<323584xi32, #tpu.memory_space<hbm>> -> memref<128xi32, #tpu.memory_space<hbm>>
        %dma_start3A_24 = tpu.memref_slice %arg4[%add3A_18] : memref<323584xi32, #tpu.memory_space<hbm>> -> memref<128xi32, #tpu.memory_space<hbm>>
        tpu.enqueue_dma source(%dma_start3A_24 : memref<128xi32, #tpu.memory_space<hbm>>) target(%arg8 : memref<128xi32, #tpu.memory_space<vmem>>) target_semaphore(%run_scoped3A : memref<!tpu.dma_semaphore, #tpu.memory_space<semaphore_mem>>)
        %dma_wait3A_25 = tpu.memref_slice %arg4[%add3A_18] : memref<323584xi32, #tpu.memory_space<hbm>> -> memref<128xi32, #tpu.memory_space<hbm>>
        %dma_wait3A_26 = tpu.memref_slice %arg4[%add3A_18] : memref<323584xi32, #tpu.memory_space<hbm>> -> memref<128xi32, #tpu.memory_space<hbm>>
        tpu.wait_dma2 semaphore(%run_scoped3A : memref<!tpu.dma_semaphore, #tpu.memory_space<semaphore_mem>>) src(%dma_wait3A_26 : memref<128xi32, #tpu.memory_space<hbm>>) dst(%arg8 : memref<128xi32, #tpu.memory_space<vmem>>)
        tpu.yield
      }) : () -> ()
      %dma_start3A = arith.constant 0 : i32
      %dma_start3A_19 = arith.constant 0 : i32
      %dma_start3A_20 = tpu.memref_slice %arg2[%dma_start3A, %dma_start3A_19] : memref<10240x128xf32, #tpu.memory_space<hbm>> -> memref<10240x128xf32, #tpu.memory_space<hbm>>
      tpu.enqueue_indirect_dma source(%dma_start3A_20 : memref<10240x128xf32, #tpu.memory_space<hbm>>) target(%arg9 : memref<128x128xf32, #tpu.memory_space<vmem>>) offsets(%arg7 : memref<128xi32, #tpu.memory_space<vmem>>) semaphore(%arg11 : memref<!tpu.dma_semaphore, #tpu.memory_space<semaphore_mem>>)
      %dma_wait3A = arith.constant 0 : i32
      %dma_wait3A_21 = arith.constant 0 : i32
      %dma_wait3A_22 = tpu.memref_slice %arg2[%dma_wait3A, %dma_wait3A_21] : memref<10240x128xf32, #tpu.memory_space<hbm>> -> memref<10240x128xf32, #tpu.memory_space<hbm>>
      tpu.wait_indirect_dma semaphore(%arg11 : memref<!tpu.dma_semaphore, #tpu.memory_space<semaphore_mem>>) src(%dma_wait3A_22 : memref<10240x128xf32, #tpu.memory_space<hbm>>) dst(%arg9 : memref<128x128xf32, #tpu.memory_space<vmem>>)
      "tpu.region"() ({
        %run_scoped3A = tpu.sem_alloc : memref<!tpu.dma_semaphore, #tpu.memory_space<semaphore_mem>>
        %dma_start3A_23 = arith.constant 0 : i32
        %dma_start3A_24 = arith.constant 0 : i32
        %dma_start3A_25 = tpu.memref_slice %arg10[%dma_start3A_23, %dma_start3A_24] : memref<10240x128xf32, #tpu.memory_space<vmem_shared>> -> memref<10240x128xf32, #tpu.memory_space<vmem_shared>>
        tpu.enqueue_indirect_dma source(%arg9 : memref<128x128xf32, #tpu.memory_space<vmem>>) target(%dma_start3A_25 : memref<10240x128xf32, #tpu.memory_space<vmem_shared>>) offsets(%arg8 : memref<128xi32, #tpu.memory_space<vmem>>) semaphore(%run_scoped3A : memref<!tpu.dma_semaphore, #tpu.memory_space<semaphore_mem>>) {add = true}
        %dma_wait3A_26 = arith.constant 0 : i32
        %dma_wait3A_27 = arith.constant 0 : i32
        %dma_wait3A_28 = tpu.memref_slice %arg10[%dma_wait3A_26, %dma_wait3A_27] : memref<10240x128xf32, #tpu.memory_space<vmem_shared>> -> memref<10240x128xf32, #tpu.memory_space<vmem_shared>>
        tpu.wait_indirect_dma semaphore(%run_scoped3A : memref<!tpu.dma_semaphore, #tpu.memory_space<semaphore_mem>>) src(%arg9 : memref<128x128xf32, #tpu.memory_space<vmem>>) dst(%dma_wait3A_28 : memref<10240x128xf32, #tpu.memory_space<vmem_shared>>)
        tpu.yield
      }) : () -> ()
    }
    %scan3A_7 = arith.constant 79 : i32
    %barrier3A_8 = arith.constant 0 : index
    tpu.barrier barrier_id(%barrier3A_8)
    %mul3A_9 = arith.constant 640 : i32
    %mul3A_10 = arith.muli %arg1, %mul3A_9 : i32
    %mul3A_11 = arith.constant 640 : i32
    %mul3A_12 = arith.muli %arg1, %mul3A_11 : i32
    "tpu.region"() ({
      %run_scoped3A = tpu.sem_alloc : memref<!tpu.dma_semaphore, #tpu.memory_space<semaphore_mem>>
      %dma_start3A = arith.constant 0 : i32
      %dma_start3A_13 = tpu.memref_slice %arg6[%arg0, %mul3A_12, %dma_start3A] : memref<2x10240x128xf32, #tpu.memory_space<hbm>> -> memref<1x640x128xf32, #tpu.memory_space<hbm>>
      %dma_start3A_14 = tpu.memref_squeeze %dma_start3A_13 : memref<1x640x128xf32, #tpu.memory_space<hbm>> -> memref<640x128xf32, #tpu.memory_space<hbm>>
      %dma_start3A_15 = arith.constant 0 : i32
      %dma_start3A_16 = tpu.memref_slice %arg10[%mul3A_10, %dma_start3A_15] : memref<10240x128xf32, #tpu.memory_space<vmem_shared>> -> memref<640x128xf32, #tpu.memory_space<vmem_shared>>
      tpu.enqueue_dma source(%dma_start3A_16 : memref<640x128xf32, #tpu.memory_space<vmem_shared>>) target(%dma_start3A_14 : memref<640x128xf32, #tpu.memory_space<hbm>>) target_semaphore(%run_scoped3A : memref<!tpu.dma_semaphore, #tpu.memory_space<semaphore_mem>>)
      %dma_wait3A = arith.constant 0 : i32
      %dma_wait3A_17 = tpu.memref_slice %arg6[%arg0, %mul3A_12, %dma_wait3A] : memref<2x10240x128xf32, #tpu.memory_space<hbm>> -> memref<1x640x128xf32, #tpu.memory_space<hbm>>
      %dma_wait3A_18 = tpu.memref_squeeze %dma_wait3A_17 : memref<1x640x128xf32, #tpu.memory_space<hbm>> -> memref<640x128xf32, #tpu.memory_space<hbm>>
      %dma_wait3A_19 = arith.constant 0 : i32
      %dma_wait3A_20 = tpu.memref_slice %arg10[%mul3A_10, %dma_wait3A_19] : memref<10240x128xf32, #tpu.memory_space<vmem_shared>> -> memref<640x128xf32, #tpu.memory_space<vmem_shared>>
      tpu.wait_dma2 semaphore(%run_scoped3A : memref<!tpu.dma_semaphore, #tpu.memory_space<semaphore_mem>>) src(%dma_wait3A_20 : memref<640x128xf32, #tpu.memory_space<vmem_shared>>) dst(%dma_wait3A_18 : memref<640x128xf32, #tpu.memory_space<hbm>>)
      tpu.yield
    }) : () -> ()
    return
  }
}

#map = affine_map<(d0, d1) -> (0)>
#map1 = affine_map<(d0, d1) -> (0, 0)>
#map2 = affine_map<(d0, d1) -> (0, 0, 0)>
module attributes {stable_mosaic.version = 14 : i64} {
  func.func @_deg_sc(%arg0: i32, %arg1: i32, %arg2: memref<323584xi32, #tpu.memory_space<hbm>>, %arg3: memref<128x128xf32, #tpu.memory_space<hbm>>, %arg4: memref<640x128xf32, #tpu.memory_space<hbm>>, %arg5: memref<2x10240x128xf32, #tpu.memory_space<hbm>>, %arg6: memref<128xi32, #tpu.memory_space<vmem>>, %arg7: memref<128x128xf32, #tpu.memory_space<vmem>>, %arg8: memref<10240x128xf32, #tpu.memory_space<vmem_shared>>) attributes {dimension_semantics = [#tpu.dimension_semantics<core_parallel>, #tpu.dimension_semantics<subcore_parallel>], iteration_bounds = array<i64: 2, 16>, scalar_prefetch = 0 : i64, scratch_operands = 3 : i64, tpu.core_type = #tpu.core_type<sc_vector_subcore>, window_params = [{transform_indices = #map}, {transform_indices = #map1}, {transform_indices = #map1}, {transform_indices = #map2}]} {
    %mul3A = arith.constant 16 : i32
    %mul3A_0 = arith.muli %arg0, %mul3A : i32
    %add3A = arith.addi %mul3A_0, %arg1 : i32
    %mul3A_1 = arith.constant 640 : i32
    %mul3A_2 = arith.muli %arg1, %mul3A_1 : i32
    "tpu.region"() ({
      %run_scoped3A = tpu.sem_alloc : memref<!tpu.dma_semaphore, #tpu.memory_space<semaphore_mem>>
      %dma_start3A = arith.constant 0 : i32
      %dma_start3A_13 = tpu.memref_slice %arg8[%mul3A_2, %dma_start3A] : memref<10240x128xf32, #tpu.memory_space<vmem_shared>> -> memref<640x128xf32, #tpu.memory_space<vmem_shared>>
      tpu.enqueue_dma source(%arg4 : memref<640x128xf32, #tpu.memory_space<hbm>>) target(%dma_start3A_13 : memref<640x128xf32, #tpu.memory_space<vmem_shared>>) target_semaphore(%run_scoped3A : memref<!tpu.dma_semaphore, #tpu.memory_space<semaphore_mem>>)
      %dma_wait3A = arith.constant 0 : i32
      %dma_wait3A_14 = tpu.memref_slice %arg8[%mul3A_2, %dma_wait3A] : memref<10240x128xf32, #tpu.memory_space<vmem_shared>> -> memref<640x128xf32, #tpu.memory_space<vmem_shared>>
      tpu.wait_dma2 semaphore(%run_scoped3A : memref<!tpu.dma_semaphore, #tpu.memory_space<semaphore_mem>>) src(%arg4 : memref<640x128xf32, #tpu.memory_space<hbm>>) dst(%dma_wait3A_14 : memref<640x128xf32, #tpu.memory_space<vmem_shared>>)
      tpu.yield
    }) : () -> ()
    "tpu.region"() ({
      %run_scoped3A = tpu.sem_alloc : memref<!tpu.dma_semaphore, #tpu.memory_space<semaphore_mem>>
      tpu.enqueue_dma source(%arg3 : memref<128x128xf32, #tpu.memory_space<hbm>>) target(%arg7 : memref<128x128xf32, #tpu.memory_space<vmem>>) target_semaphore(%run_scoped3A : memref<!tpu.dma_semaphore, #tpu.memory_space<semaphore_mem>>)
      tpu.wait_dma2 semaphore(%run_scoped3A : memref<!tpu.dma_semaphore, #tpu.memory_space<semaphore_mem>>) src(%arg3 : memref<128x128xf32, #tpu.memory_space<hbm>>) dst(%arg7 : memref<128x128xf32, #tpu.memory_space<vmem>>)
      tpu.yield
    }) : () -> ()
    %barrier3A = arith.constant 0 : index
    tpu.barrier barrier_id(%barrier3A)
    %scan3A = arith.constant 0 : i32
    %scan3A_3 = arith.constant 0 : i32
    %scan3A_4 = arith.constant 79 : i32
    %scan3A_5 = arith.addi %scan3A_3, %scan3A_4 : i32
    %scan3A_6 = arith.constant 1 : i32
    scf.for %scan3A_13 = %scan3A_3 to %scan3A_5 step %scan3A_6  : i32 {
      %mul3A_14 = arith.constant 10112 : i32
      %mul3A_15 = arith.muli %add3A, %mul3A_14 : i32
      %mul3A_16 = arith.constant 128 : i32
      %mul3A_17 = arith.muli %scan3A_13, %mul3A_16 : i32
      %add3A_18 = arith.addi %mul3A_15, %mul3A_17 : i32
      "tpu.region"() ({
        %run_scoped3A = tpu.sem_alloc : memref<!tpu.dma_semaphore, #tpu.memory_space<semaphore_mem>>
        %dma_start3A = tpu.memref_slice %arg2[%add3A_18] : memref<323584xi32, #tpu.memory_space<hbm>> -> memref<128xi32, #tpu.memory_space<hbm>>
        %dma_start3A_19 = tpu.memref_slice %arg2[%add3A_18] : memref<323584xi32, #tpu.memory_space<hbm>> -> memref<128xi32, #tpu.memory_space<hbm>>
        tpu.enqueue_dma source(%dma_start3A_19 : memref<128xi32, #tpu.memory_space<hbm>>) target(%arg6 : memref<128xi32, #tpu.memory_space<vmem>>) target_semaphore(%run_scoped3A : memref<!tpu.dma_semaphore, #tpu.memory_space<semaphore_mem>>)
        %dma_wait3A = tpu.memref_slice %arg2[%add3A_18] : memref<323584xi32, #tpu.memory_space<hbm>> -> memref<128xi32, #tpu.memory_space<hbm>>
        %dma_wait3A_20 = tpu.memref_slice %arg2[%add3A_18] : memref<323584xi32, #tpu.memory_space<hbm>> -> memref<128xi32, #tpu.memory_space<hbm>>
        tpu.wait_dma2 semaphore(%run_scoped3A : memref<!tpu.dma_semaphore, #tpu.memory_space<semaphore_mem>>) src(%dma_wait3A_20 : memref<128xi32, #tpu.memory_space<hbm>>) dst(%arg6 : memref<128xi32, #tpu.memory_space<vmem>>)
        tpu.yield
      }) : () -> ()
      "tpu.region"() ({
        %run_scoped3A = tpu.sem_alloc : memref<!tpu.dma_semaphore, #tpu.memory_space<semaphore_mem>>
        %dma_start3A = arith.constant 0 : i32
        %dma_start3A_19 = arith.constant 0 : i32
        %dma_start3A_20 = tpu.memref_slice %arg8[%dma_start3A, %dma_start3A_19] : memref<10240x128xf32, #tpu.memory_space<vmem_shared>> -> memref<10240x128xf32, #tpu.memory_space<vmem_shared>>
        tpu.enqueue_indirect_dma source(%arg7 : memref<128x128xf32, #tpu.memory_space<vmem>>) target(%dma_start3A_20 : memref<10240x128xf32, #tpu.memory_space<vmem_shared>>) offsets(%arg6 : memref<128xi32, #tpu.memory_space<vmem>>) semaphore(%run_scoped3A : memref<!tpu.dma_semaphore, #tpu.memory_space<semaphore_mem>>) {add = true}
        %dma_wait3A = arith.constant 0 : i32
        %dma_wait3A_21 = arith.constant 0 : i32
        %dma_wait3A_22 = tpu.memref_slice %arg8[%dma_wait3A, %dma_wait3A_21] : memref<10240x128xf32, #tpu.memory_space<vmem_shared>> -> memref<10240x128xf32, #tpu.memory_space<vmem_shared>>
        tpu.wait_indirect_dma semaphore(%run_scoped3A : memref<!tpu.dma_semaphore, #tpu.memory_space<semaphore_mem>>) src(%arg7 : memref<128x128xf32, #tpu.memory_space<vmem>>) dst(%dma_wait3A_22 : memref<10240x128xf32, #tpu.memory_space<vmem_shared>>)
        tpu.yield
      }) : () -> ()
    }
    %scan3A_7 = arith.constant 79 : i32
    %barrier3A_8 = arith.constant 0 : index
    tpu.barrier barrier_id(%barrier3A_8)
    %mul3A_9 = arith.constant 640 : i32
    %mul3A_10 = arith.muli %arg1, %mul3A_9 : i32
    %mul3A_11 = arith.constant 640 : i32
    %mul3A_12 = arith.muli %arg1, %mul3A_11 : i32
    "tpu.region"() ({
      %run_scoped3A = tpu.sem_alloc : memref<!tpu.dma_semaphore, #tpu.memory_space<semaphore_mem>>
      %dma_start3A = arith.constant 0 : i32
      %dma_start3A_13 = tpu.memref_slice %arg5[%arg0, %mul3A_12, %dma_start3A] : memref<2x10240x128xf32, #tpu.memory_space<hbm>> -> memref<1x640x128xf32, #tpu.memory_space<hbm>>
      %dma_start3A_14 = tpu.memref_squeeze %dma_start3A_13 : memref<1x640x128xf32, #tpu.memory_space<hbm>> -> memref<640x128xf32, #tpu.memory_space<hbm>>
      %dma_start3A_15 = arith.constant 0 : i32
      %dma_start3A_16 = tpu.memref_slice %arg8[%mul3A_10, %dma_start3A_15] : memref<10240x128xf32, #tpu.memory_space<vmem_shared>> -> memref<640x128xf32, #tpu.memory_space<vmem_shared>>
      tpu.enqueue_dma source(%dma_start3A_16 : memref<640x128xf32, #tpu.memory_space<vmem_shared>>) target(%dma_start3A_14 : memref<640x128xf32, #tpu.memory_space<hbm>>) target_semaphore(%run_scoped3A : memref<!tpu.dma_semaphore, #tpu.memory_space<semaphore_mem>>)
      %dma_wait3A = arith.constant 0 : i32
      %dma_wait3A_17 = tpu.memref_slice %arg5[%arg0, %mul3A_12, %dma_wait3A] : memref<2x10240x128xf32, #tpu.memory_space<hbm>> -> memref<1x640x128xf32, #tpu.memory_space<hbm>>
      %dma_wait3A_18 = tpu.memref_squeeze %dma_wait3A_17 : memref<1x640x128xf32, #tpu.memory_space<hbm>> -> memref<640x128xf32, #tpu.memory_space<hbm>>
      %dma_wait3A_19 = arith.constant 0 : i32
      %dma_wait3A_20 = tpu.memref_slice %arg8[%mul3A_10, %dma_wait3A_19] : memref<10240x128xf32, #tpu.memory_space<vmem_shared>> -> memref<640x128xf32, #tpu.memory_space<vmem_shared>>
      tpu.wait_dma2 semaphore(%run_scoped3A : memref<!tpu.dma_semaphore, #tpu.memory_space<semaphore_mem>>) src(%dma_wait3A_20 : memref<640x128xf32, #tpu.memory_space<vmem_shared>>) dst(%dma_wait3A_18 : memref<640x128xf32, #tpu.memory_space<hbm>>)
      tpu.yield
    }) : () -> ()
    return
  }
}

#map = affine_map<(d0, d1) -> (0, 0)>
#map1 = affine_map<(d0, d1) -> (0)>
#map2 = affine_map<(d0, d1) -> (0, 0, 0)>
module attributes {stable_mosaic.version = 14 : i64} {
  func.func @_spmm_sc(%arg0: i32, %arg1: i32, %arg2: memref<10240x128xf32, #tpu.memory_space<hbm>>, %arg3: memref<323584xi32, #tpu.memory_space<hbm>>, %arg4: memref<323584xi32, #tpu.memory_space<hbm>>, %arg5: memref<640x128xf32, #tpu.memory_space<hbm>>, %arg6: memref<2x10240x128xf32, #tpu.memory_space<hbm>>, %arg7: memref<128xi32, #tpu.memory_space<vmem>>, %arg8: memref<128xi32, #tpu.memory_space<vmem>>, %arg9: memref<128x128xf32, #tpu.memory_space<vmem>>, %arg10: memref<10240x128xf32, #tpu.memory_space<vmem_shared>>, %arg11: memref<!tpu.dma_semaphore, #tpu.memory_space<semaphore_mem>>) attributes {dimension_semantics = [#tpu.dimension_semantics<core_parallel>, #tpu.dimension_semantics<subcore_parallel>], iteration_bounds = array<i64: 2, 16>, scalar_prefetch = 0 : i64, scratch_operands = 5 : i64, tpu.core_type = #tpu.core_type<sc_vector_subcore>, window_params = [{transform_indices = #map}, {transform_indices = #map1}, {transform_indices = #map1}, {transform_indices = #map}, {transform_indices = #map2}]} {
    %mul3A = arith.constant 16 : i32
    %mul3A_0 = arith.muli %arg0, %mul3A : i32
    %add3A = arith.addi %mul3A_0, %arg1 : i32
    %mul3A_1 = arith.constant 640 : i32
    %mul3A_2 = arith.muli %arg1, %mul3A_1 : i32
    "tpu.region"() ({
      %run_scoped3A = tpu.sem_alloc : memref<!tpu.dma_semaphore, #tpu.memory_space<semaphore_mem>>
      %dma_start3A = arith.constant 0 : i32
      %dma_start3A_13 = tpu.memref_slice %arg10[%mul3A_2, %dma_start3A] : memref<10240x128xf32, #tpu.memory_space<vmem_shared>> -> memref<640x128xf32, #tpu.memory_space<vmem_shared>>
      tpu.enqueue_dma source(%arg5 : memref<640x128xf32, #tpu.memory_space<hbm>>) target(%dma_start3A_13 : memref<640x128xf32, #tpu.memory_space<vmem_shared>>) target_semaphore(%run_scoped3A : memref<!tpu.dma_semaphore, #tpu.memory_space<semaphore_mem>>)
      %dma_wait3A = arith.constant 0 : i32
      %dma_wait3A_14 = tpu.memref_slice %arg10[%mul3A_2, %dma_wait3A] : memref<10240x128xf32, #tpu.memory_space<vmem_shared>> -> memref<640x128xf32, #tpu.memory_space<vmem_shared>>
      tpu.wait_dma2 semaphore(%run_scoped3A : memref<!tpu.dma_semaphore, #tpu.memory_space<semaphore_mem>>) src(%arg5 : memref<640x128xf32, #tpu.memory_space<hbm>>) dst(%dma_wait3A_14 : memref<640x128xf32, #tpu.memory_space<vmem_shared>>)
      tpu.yield
    }) : () -> ()
    %barrier3A = arith.constant 0 : index
    tpu.barrier barrier_id(%barrier3A)
    %scan3A = arith.constant 0 : i32
    %scan3A_3 = arith.constant 0 : i32
    %scan3A_4 = arith.constant 79 : i32
    %scan3A_5 = arith.addi %scan3A_3, %scan3A_4 : i32
    %scan3A_6 = arith.constant 1 : i32
    scf.for %scan3A_13 = %scan3A_3 to %scan3A_5 step %scan3A_6  : i32 {
      %mul3A_14 = arith.constant 10112 : i32
      %mul3A_15 = arith.muli %add3A, %mul3A_14 : i32
      %mul3A_16 = arith.constant 128 : i32
      %mul3A_17 = arith.muli %scan3A_13, %mul3A_16 : i32
      %add3A_18 = arith.addi %mul3A_15, %mul3A_17 : i32
      "tpu.region"() ({
        %run_scoped3A = tpu.sem_alloc : memref<!tpu.dma_semaphore, #tpu.memory_space<semaphore_mem>>
        %dma_start3A_23 = tpu.memref_slice %arg3[%add3A_18] : memref<323584xi32, #tpu.memory_space<hbm>> -> memref<128xi32, #tpu.memory_space<hbm>>
        %dma_start3A_24 = tpu.memref_slice %arg3[%add3A_18] : memref<323584xi32, #tpu.memory_space<hbm>> -> memref<128xi32, #tpu.memory_space<hbm>>
        tpu.enqueue_dma source(%dma_start3A_24 : memref<128xi32, #tpu.memory_space<hbm>>) target(%arg7 : memref<128xi32, #tpu.memory_space<vmem>>) target_semaphore(%run_scoped3A : memref<!tpu.dma_semaphore, #tpu.memory_space<semaphore_mem>>)
        %dma_wait3A_25 = tpu.memref_slice %arg3[%add3A_18] : memref<323584xi32, #tpu.memory_space<hbm>> -> memref<128xi32, #tpu.memory_space<hbm>>
        %dma_wait3A_26 = tpu.memref_slice %arg3[%add3A_18] : memref<323584xi32, #tpu.memory_space<hbm>> -> memref<128xi32, #tpu.memory_space<hbm>>
        tpu.wait_dma2 semaphore(%run_scoped3A : memref<!tpu.dma_semaphore, #tpu.memory_space<semaphore_mem>>) src(%dma_wait3A_26 : memref<128xi32, #tpu.memory_space<hbm>>) dst(%arg7 : memref<128xi32, #tpu.memory_space<vmem>>)
        tpu.yield
      }) : () -> ()
      "tpu.region"() ({
        %run_scoped3A = tpu.sem_alloc : memref<!tpu.dma_semaphore, #tpu.memory_space<semaphore_mem>>
        %dma_start3A_23 = tpu.memref_slice %arg4[%add3A_18] : memref<323584xi32, #tpu.memory_space<hbm>> -> memref<128xi32, #tpu.memory_space<hbm>>
        %dma_start3A_24 = tpu.memref_slice %arg4[%add3A_18] : memref<323584xi32, #tpu.memory_space<hbm>> -> memref<128xi32, #tpu.memory_space<hbm>>
        tpu.enqueue_dma source(%dma_start3A_24 : memref<128xi32, #tpu.memory_space<hbm>>) target(%arg8 : memref<128xi32, #tpu.memory_space<vmem>>) target_semaphore(%run_scoped3A : memref<!tpu.dma_semaphore, #tpu.memory_space<semaphore_mem>>)
        %dma_wait3A_25 = tpu.memref_slice %arg4[%add3A_18] : memref<323584xi32, #tpu.memory_space<hbm>> -> memref<128xi32, #tpu.memory_space<hbm>>
        %dma_wait3A_26 = tpu.memref_slice %arg4[%add3A_18] : memref<323584xi32, #tpu.memory_space<hbm>> -> memref<128xi32, #tpu.memory_space<hbm>>
        tpu.wait_dma2 semaphore(%run_scoped3A : memref<!tpu.dma_semaphore, #tpu.memory_space<semaphore_mem>>) src(%dma_wait3A_26 : memref<128xi32, #tpu.memory_space<hbm>>) dst(%arg8 : memref<128xi32, #tpu.memory_space<vmem>>)
        tpu.yield
      }) : () -> ()
      %dma_start3A = arith.constant 0 : i32
      %dma_start3A_19 = arith.constant 0 : i32
      %dma_start3A_20 = tpu.memref_slice %arg2[%dma_start3A, %dma_start3A_19] : memref<10240x128xf32, #tpu.memory_space<hbm>> -> memref<10240x128xf32, #tpu.memory_space<hbm>>
      tpu.enqueue_indirect_dma source(%dma_start3A_20 : memref<10240x128xf32, #tpu.memory_space<hbm>>) target(%arg9 : memref<128x128xf32, #tpu.memory_space<vmem>>) offsets(%arg7 : memref<128xi32, #tpu.memory_space<vmem>>) semaphore(%arg11 : memref<!tpu.dma_semaphore, #tpu.memory_space<semaphore_mem>>)
      %dma_wait3A = arith.constant 0 : i32
      %dma_wait3A_21 = arith.constant 0 : i32
      %dma_wait3A_22 = tpu.memref_slice %arg2[%dma_wait3A, %dma_wait3A_21] : memref<10240x128xf32, #tpu.memory_space<hbm>> -> memref<10240x128xf32, #tpu.memory_space<hbm>>
      tpu.wait_indirect_dma semaphore(%arg11 : memref<!tpu.dma_semaphore, #tpu.memory_space<semaphore_mem>>) src(%dma_wait3A_22 : memref<10240x128xf32, #tpu.memory_space<hbm>>) dst(%arg9 : memref<128x128xf32, #tpu.memory_space<vmem>>)
      "tpu.region"() ({
        %run_scoped3A = tpu.sem_alloc : memref<!tpu.dma_semaphore, #tpu.memory_space<semaphore_mem>>
        %dma_start3A_23 = arith.constant 0 : i32
        %dma_start3A_24 = arith.constant 0 : i32
        %dma_start3A_25 = tpu.memref_slice %arg10[%dma_start3A_23, %dma_start3A_24] : memref<10240x128xf32, #tpu.memory_space<vmem_shared>> -> memref<10240x128xf32, #tpu.memory_space<vmem_shared>>
        tpu.enqueue_indirect_dma source(%arg9 : memref<128x128xf32, #tpu.memory_space<vmem>>) target(%dma_start3A_25 : memref<10240x128xf32, #tpu.memory_space<vmem_shared>>) offsets(%arg8 : memref<128xi32, #tpu.memory_space<vmem>>) semaphore(%run_scoped3A : memref<!tpu.dma_semaphore, #tpu.memory_space<semaphore_mem>>) {add = true}
        %dma_wait3A_26 = arith.constant 0 : i32
        %dma_wait3A_27 = arith.constant 0 : i32
        %dma_wait3A_28 = tpu.memref_slice %arg10[%dma_wait3A_26, %dma_wait3A_27] : memref<10240x128xf32, #tpu.memory_space<vmem_shared>> -> memref<10240x128xf32, #tpu.memory_space<vmem_shared>>
        tpu.wait_indirect_dma semaphore(%run_scoped3A : memref<!tpu.dma_semaphore, #tpu.memory_space<semaphore_mem>>) src(%arg9 : memref<128x128xf32, #tpu.memory_space<vmem>>) dst(%dma_wait3A_28 : memref<10240x128xf32, #tpu.memory_space<vmem_shared>>)
        tpu.yield
      }) : () -> ()
    }
    %scan3A_7 = arith.constant 79 : i32
    %barrier3A_8 = arith.constant 0 : index
    tpu.barrier barrier_id(%barrier3A_8)
    %mul3A_9 = arith.constant 640 : i32
    %mul3A_10 = arith.muli %arg1, %mul3A_9 : i32
    %mul3A_11 = arith.constant 640 : i32
    %mul3A_12 = arith.muli %arg1, %mul3A_11 : i32
    "tpu.region"() ({
      %run_scoped3A = tpu.sem_alloc : memref<!tpu.dma_semaphore, #tpu.memory_space<semaphore_mem>>
      %dma_start3A = arith.constant 0 : i32
      %dma_start3A_13 = tpu.memref_slice %arg6[%arg0, %mul3A_12, %dma_start3A] : memref<2x10240x128xf32, #tpu.memory_space<hbm>> -> memref<1x640x128xf32, #tpu.memory_space<hbm>>
      %dma_start3A_14 = tpu.memref_squeeze %dma_start3A_13 : memref<1x640x128xf32, #tpu.memory_space<hbm>> -> memref<640x128xf32, #tpu.memory_space<hbm>>
      %dma_start3A_15 = arith.constant 0 : i32
      %dma_start3A_16 = tpu.memref_slice %arg10[%mul3A_10, %dma_start3A_15] : memref<10240x128xf32, #tpu.memory_space<vmem_shared>> -> memref<640x128xf32, #tpu.memory_space<vmem_shared>>
      tpu.enqueue_dma source(%dma_start3A_16 : memref<640x128xf32, #tpu.memory_space<vmem_shared>>) target(%dma_start3A_14 : memref<640x128xf32, #tpu.memory_space<hbm>>) target_semaphore(%run_scoped3A : memref<!tpu.dma_semaphore, #tpu.memory_space<semaphore_mem>>)
      %dma_wait3A = arith.constant 0 : i32
      %dma_wait3A_17 = tpu.memref_slice %arg6[%arg0, %mul3A_12, %dma_wait3A] : memref<2x10240x128xf32, #tpu.memory_space<hbm>> -> memref<1x640x128xf32, #tpu.memory_space<hbm>>
      %dma_wait3A_18 = tpu.memref_squeeze %dma_wait3A_17 : memref<1x640x128xf32, #tpu.memory_space<hbm>> -> memref<640x128xf32, #tpu.memory_space<hbm>>
      %dma_wait3A_19 = arith.constant 0 : i32
      %dma_wait3A_20 = tpu.memref_slice %arg10[%mul3A_10, %dma_wait3A_19] : memref<10240x128xf32, #tpu.memory_space<vmem_shared>> -> memref<640x128xf32, #tpu.memory_space<vmem_shared>>
      tpu.wait_dma2 semaphore(%run_scoped3A : memref<!tpu.dma_semaphore, #tpu.memory_space<semaphore_mem>>) src(%dma_wait3A_20 : memref<640x128xf32, #tpu.memory_space<vmem_shared>>) dst(%dma_wait3A_18 : memref<640x128xf32, #tpu.memory_space<hbm>>)
      tpu.yield
    }) : () -> ()
    return
  }
}

#map = affine_map<(d0, d1) -> (0, 0)>
#map1 = affine_map<(d0, d1) -> (0)>
#map2 = affine_map<(d0, d1) -> (0, 0, 0)>
module attributes {stable_mosaic.version = 14 : i64} {
  func.func @_spmm_sc(%arg0: i32, %arg1: i32, %arg2: memref<10240x128xf32, #tpu.memory_space<hbm>>, %arg3: memref<323584xi32, #tpu.memory_space<hbm>>, %arg4: memref<323584xi32, #tpu.memory_space<hbm>>, %arg5: memref<640x128xf32, #tpu.memory_space<hbm>>, %arg6: memref<2x10240x128xf32, #tpu.memory_space<hbm>>, %arg7: memref<128xi32, #tpu.memory_space<vmem>>, %arg8: memref<128xi32, #tpu.memory_space<vmem>>, %arg9: memref<128x128xf32, #tpu.memory_space<vmem>>, %arg10: memref<10240x128xf32, #tpu.memory_space<vmem_shared>>, %arg11: memref<!tpu.dma_semaphore, #tpu.memory_space<semaphore_mem>>) attributes {dimension_semantics = [#tpu.dimension_semantics<core_parallel>, #tpu.dimension_semantics<subcore_parallel>], iteration_bounds = array<i64: 2, 16>, scalar_prefetch = 0 : i64, scratch_operands = 5 : i64, tpu.core_type = #tpu.core_type<sc_vector_subcore>, window_params = [{transform_indices = #map}, {transform_indices = #map1}, {transform_indices = #map1}, {transform_indices = #map}, {transform_indices = #map2}]} {
    %mul3A = arith.constant 16 : i32
    %mul3A_0 = arith.muli %arg0, %mul3A : i32
    %add3A = arith.addi %mul3A_0, %arg1 : i32
    %mul3A_1 = arith.constant 640 : i32
    %mul3A_2 = arith.muli %arg1, %mul3A_1 : i32
    "tpu.region"() ({
      %run_scoped3A = tpu.sem_alloc : memref<!tpu.dma_semaphore, #tpu.memory_space<semaphore_mem>>
      %dma_start3A = arith.constant 0 : i32
      %dma_start3A_13 = tpu.memref_slice %arg10[%mul3A_2, %dma_start3A] : memref<10240x128xf32, #tpu.memory_space<vmem_shared>> -> memref<640x128xf32, #tpu.memory_space<vmem_shared>>
      tpu.enqueue_dma source(%arg5 : memref<640x128xf32, #tpu.memory_space<hbm>>) target(%dma_start3A_13 : memref<640x128xf32, #tpu.memory_space<vmem_shared>>) target_semaphore(%run_scoped3A : memref<!tpu.dma_semaphore, #tpu.memory_space<semaphore_mem>>)
      %dma_wait3A = arith.constant 0 : i32
      %dma_wait3A_14 = tpu.memref_slice %arg10[%mul3A_2, %dma_wait3A] : memref<10240x128xf32, #tpu.memory_space<vmem_shared>> -> memref<640x128xf32, #tpu.memory_space<vmem_shared>>
      tpu.wait_dma2 semaphore(%run_scoped3A : memref<!tpu.dma_semaphore, #tpu.memory_space<semaphore_mem>>) src(%arg5 : memref<640x128xf32, #tpu.memory_space<hbm>>) dst(%dma_wait3A_14 : memref<640x128xf32, #tpu.memory_space<vmem_shared>>)
      tpu.yield
    }) : () -> ()
    %barrier3A = arith.constant 0 : index
    tpu.barrier barrier_id(%barrier3A)
    %scan3A = arith.constant 0 : i32
    %scan3A_3 = arith.constant 0 : i32
    %scan3A_4 = arith.constant 79 : i32
    %scan3A_5 = arith.addi %scan3A_3, %scan3A_4 : i32
    %scan3A_6 = arith.constant 1 : i32
    scf.for %scan3A_13 = %scan3A_3 to %scan3A_5 step %scan3A_6  : i32 {
      %mul3A_14 = arith.constant 10112 : i32
      %mul3A_15 = arith.muli %add3A, %mul3A_14 : i32
      %mul3A_16 = arith.constant 128 : i32
      %mul3A_17 = arith.muli %scan3A_13, %mul3A_16 : i32
      %add3A_18 = arith.addi %mul3A_15, %mul3A_17 : i32
      "tpu.region"() ({
        %run_scoped3A = tpu.sem_alloc : memref<!tpu.dma_semaphore, #tpu.memory_space<semaphore_mem>>
        %dma_start3A_23 = tpu.memref_slice %arg3[%add3A_18] : memref<323584xi32, #tpu.memory_space<hbm>> -> memref<128xi32, #tpu.memory_space<hbm>>
        %dma_start3A_24 = tpu.memref_slice %arg3[%add3A_18] : memref<323584xi32, #tpu.memory_space<hbm>> -> memref<128xi32, #tpu.memory_space<hbm>>
        tpu.enqueue_dma source(%dma_start3A_24 : memref<128xi32, #tpu.memory_space<hbm>>) target(%arg7 : memref<128xi32, #tpu.memory_space<vmem>>) target_semaphore(%run_scoped3A : memref<!tpu.dma_semaphore, #tpu.memory_space<semaphore_mem>>)
        %dma_wait3A_25 = tpu.memref_slice %arg3[%add3A_18] : memref<323584xi32, #tpu.memory_space<hbm>> -> memref<128xi32, #tpu.memory_space<hbm>>
        %dma_wait3A_26 = tpu.memref_slice %arg3[%add3A_18] : memref<323584xi32, #tpu.memory_space<hbm>> -> memref<128xi32, #tpu.memory_space<hbm>>
        tpu.wait_dma2 semaphore(%run_scoped3A : memref<!tpu.dma_semaphore, #tpu.memory_space<semaphore_mem>>) src(%dma_wait3A_26 : memref<128xi32, #tpu.memory_space<hbm>>) dst(%arg7 : memref<128xi32, #tpu.memory_space<vmem>>)
        tpu.yield
      }) : () -> ()
      "tpu.region"() ({
        %run_scoped3A = tpu.sem_alloc : memref<!tpu.dma_semaphore, #tpu.memory_space<semaphore_mem>>
        %dma_start3A_23 = tpu.memref_slice %arg4[%add3A_18] : memref<323584xi32, #tpu.memory_space<hbm>> -> memref<128xi32, #tpu.memory_space<hbm>>
        %dma_start3A_24 = tpu.memref_slice %arg4[%add3A_18] : memref<323584xi32, #tpu.memory_space<hbm>> -> memref<128xi32, #tpu.memory_space<hbm>>
        tpu.enqueue_dma source(%dma_start3A_24 : memref<128xi32, #tpu.memory_space<hbm>>) target(%arg8 : memref<128xi32, #tpu.memory_space<vmem>>) target_semaphore(%run_scoped3A : memref<!tpu.dma_semaphore, #tpu.memory_space<semaphore_mem>>)
        %dma_wait3A_25 = tpu.memref_slice %arg4[%add3A_18] : memref<323584xi32, #tpu.memory_space<hbm>> -> memref<128xi32, #tpu.memory_space<hbm>>
        %dma_wait3A_26 = tpu.memref_slice %arg4[%add3A_18] : memref<323584xi32, #tpu.memory_space<hbm>> -> memref<128xi32, #tpu.memory_space<hbm>>
        tpu.wait_dma2 semaphore(%run_scoped3A : memref<!tpu.dma_semaphore, #tpu.memory_space<semaphore_mem>>) src(%dma_wait3A_26 : memref<128xi32, #tpu.memory_space<hbm>>) dst(%arg8 : memref<128xi32, #tpu.memory_space<vmem>>)
        tpu.yield
      }) : () -> ()
      %dma_start3A = arith.constant 0 : i32
      %dma_start3A_19 = arith.constant 0 : i32
      %dma_start3A_20 = tpu.memref_slice %arg2[%dma_start3A, %dma_start3A_19] : memref<10240x128xf32, #tpu.memory_space<hbm>> -> memref<10240x128xf32, #tpu.memory_space<hbm>>
      tpu.enqueue_indirect_dma source(%dma_start3A_20 : memref<10240x128xf32, #tpu.memory_space<hbm>>) target(%arg9 : memref<128x128xf32, #tpu.memory_space<vmem>>) offsets(%arg7 : memref<128xi32, #tpu.memory_space<vmem>>) semaphore(%arg11 : memref<!tpu.dma_semaphore, #tpu.memory_space<semaphore_mem>>)
      %dma_wait3A = arith.constant 0 : i32
      %dma_wait3A_21 = arith.constant 0 : i32
      %dma_wait3A_22 = tpu.memref_slice %arg2[%dma_wait3A, %dma_wait3A_21] : memref<10240x128xf32, #tpu.memory_space<hbm>> -> memref<10240x128xf32, #tpu.memory_space<hbm>>
      tpu.wait_indirect_dma semaphore(%arg11 : memref<!tpu.dma_semaphore, #tpu.memory_space<semaphore_mem>>) src(%dma_wait3A_22 : memref<10240x128xf32, #tpu.memory_space<hbm>>) dst(%arg9 : memref<128x128xf32, #tpu.memory_space<vmem>>)
      "tpu.region"() ({
        %run_scoped3A = tpu.sem_alloc : memref<!tpu.dma_semaphore, #tpu.memory_space<semaphore_mem>>
        %dma_start3A_23 = arith.constant 0 : i32
        %dma_start3A_24 = arith.constant 0 : i32
        %dma_start3A_25 = tpu.memref_slice %arg10[%dma_start3A_23, %dma_start3A_24] : memref<10240x128xf32, #tpu.memory_space<vmem_shared>> -> memref<10240x128xf32, #tpu.memory_space<vmem_shared>>
        tpu.enqueue_indirect_dma source(%arg9 : memref<128x128xf32, #tpu.memory_space<vmem>>) target(%dma_start3A_25 : memref<10240x128xf32, #tpu.memory_space<vmem_shared>>) offsets(%arg8 : memref<128xi32, #tpu.memory_space<vmem>>) semaphore(%run_scoped3A : memref<!tpu.dma_semaphore, #tpu.memory_space<semaphore_mem>>) {add = true}
        %dma_wait3A_26 = arith.constant 0 : i32
        %dma_wait3A_27 = arith.constant 0 : i32
        %dma_wait3A_28 = tpu.memref_slice %arg10[%dma_wait3A_26, %dma_wait3A_27] : memref<10240x128xf32, #tpu.memory_space<vmem_shared>> -> memref<10240x128xf32, #tpu.memory_space<vmem_shared>>
        tpu.wait_indirect_dma semaphore(%run_scoped3A : memref<!tpu.dma_semaphore, #tpu.memory_space<semaphore_mem>>) src(%arg9 : memref<128x128xf32, #tpu.memory_space<vmem>>) dst(%dma_wait3A_28 : memref<10240x128xf32, #tpu.memory_space<vmem_shared>>)
        tpu.yield
      }) : () -> ()
    }
    %scan3A_7 = arith.constant 79 : i32
    %barrier3A_8 = arith.constant 0 : index
    tpu.barrier barrier_id(%barrier3A_8)
    %mul3A_9 = arith.constant 640 : i32
    %mul3A_10 = arith.muli %arg1, %mul3A_9 : i32
    %mul3A_11 = arith.constant 640 : i32
    %mul3A_12 = arith.muli %arg1, %mul3A_11 : i32
    "tpu.region"() ({
      %run_scoped3A = tpu.sem_alloc : memref<!tpu.dma_semaphore, #tpu.memory_space<semaphore_mem>>
      %dma_start3A = arith.constant 0 : i32
      %dma_start3A_13 = tpu.memref_slice %arg6[%arg0, %mul3A_12, %dma_start3A] : memref<2x10240x128xf32, #tpu.memory_space<hbm>> -> memref<1x640x128xf32, #tpu.memory_space<hbm>>
      %dma_start3A_14 = tpu.memref_squeeze %dma_start3A_13 : memref<1x640x128xf32, #tpu.memory_space<hbm>> -> memref<640x128xf32, #tpu.memory_space<hbm>>
      %dma_start3A_15 = arith.constant 0 : i32
      %dma_start3A_16 = tpu.memref_slice %arg10[%mul3A_10, %dma_start3A_15] : memref<10240x128xf32, #tpu.memory_space<vmem_shared>> -> memref<640x128xf32, #tpu.memory_space<vmem_shared>>
      tpu.enqueue_dma source(%dma_start3A_16 : memref<640x128xf32, #tpu.memory_space<vmem_shared>>) target(%dma_start3A_14 : memref<640x128xf32, #tpu.memory_space<hbm>>) target_semaphore(%run_scoped3A : memref<!tpu.dma_semaphore, #tpu.memory_space<semaphore_mem>>)
      %dma_wait3A = arith.constant 0 : i32
      %dma_wait3A_17 = tpu.memref_slice %arg6[%arg0, %mul3A_12, %dma_wait3A] : memref<2x10240x128xf32, #tpu.memory_space<hbm>> -> memref<1x640x128xf32, #tpu.memory_space<hbm>>
      %dma_wait3A_18 = tpu.memref_squeeze %dma_wait3A_17 : memref<1x640x128xf32, #tpu.memory_space<hbm>> -> memref<640x128xf32, #tpu.memory_space<hbm>>
      %dma_wait3A_19 = arith.constant 0 : i32
      %dma_wait3A_20 = tpu.memref_slice %arg10[%mul3A_10, %dma_wait3A_19] : memref<10240x128xf32, #tpu.memory_space<vmem_shared>> -> memref<640x128xf32, #tpu.memory_space<vmem_shared>>
      tpu.wait_dma2 semaphore(%run_scoped3A : memref<!tpu.dma_semaphore, #tpu.memory_space<semaphore_mem>>) src(%dma_wait3A_20 : memref<640x128xf32, #tpu.memory_space<vmem_shared>>) dst(%dma_wait3A_18 : memref<640x128xf32, #tpu.memory_space<hbm>>)
      tpu.yield
    }) : () -> ()
    return
  }
}

#map = affine_map<(d0, d1) -> (0, 0)>
#map1 = affine_map<(d0, d1) -> (0)>
#map2 = affine_map<(d0, d1) -> (0, 0, 0)>
module attributes {stable_mosaic.version = 14 : i64} {
  func.func @_spmm_sc(%arg0: i32, %arg1: i32, %arg2: memref<10240x128xf32, #tpu.memory_space<hbm>>, %arg3: memref<323584xi32, #tpu.memory_space<hbm>>, %arg4: memref<323584xi32, #tpu.memory_space<hbm>>, %arg5: memref<640x128xf32, #tpu.memory_space<hbm>>, %arg6: memref<2x10240x128xf32, #tpu.memory_space<hbm>>, %arg7: memref<128xi32, #tpu.memory_space<vmem>>, %arg8: memref<128xi32, #tpu.memory_space<vmem>>, %arg9: memref<128x128xf32, #tpu.memory_space<vmem>>, %arg10: memref<10240x128xf32, #tpu.memory_space<vmem_shared>>, %arg11: memref<!tpu.dma_semaphore, #tpu.memory_space<semaphore_mem>>) attributes {dimension_semantics = [#tpu.dimension_semantics<core_parallel>, #tpu.dimension_semantics<subcore_parallel>], iteration_bounds = array<i64: 2, 16>, scalar_prefetch = 0 : i64, scratch_operands = 5 : i64, tpu.core_type = #tpu.core_type<sc_vector_subcore>, window_params = [{transform_indices = #map}, {transform_indices = #map1}, {transform_indices = #map1}, {transform_indices = #map}, {transform_indices = #map2}]} {
    %mul3A = arith.constant 16 : i32
    %mul3A_0 = arith.muli %arg0, %mul3A : i32
    %add3A = arith.addi %mul3A_0, %arg1 : i32
    %mul3A_1 = arith.constant 640 : i32
    %mul3A_2 = arith.muli %arg1, %mul3A_1 : i32
    "tpu.region"() ({
      %run_scoped3A = tpu.sem_alloc : memref<!tpu.dma_semaphore, #tpu.memory_space<semaphore_mem>>
      %dma_start3A = arith.constant 0 : i32
      %dma_start3A_13 = tpu.memref_slice %arg10[%mul3A_2, %dma_start3A] : memref<10240x128xf32, #tpu.memory_space<vmem_shared>> -> memref<640x128xf32, #tpu.memory_space<vmem_shared>>
      tpu.enqueue_dma source(%arg5 : memref<640x128xf32, #tpu.memory_space<hbm>>) target(%dma_start3A_13 : memref<640x128xf32, #tpu.memory_space<vmem_shared>>) target_semaphore(%run_scoped3A : memref<!tpu.dma_semaphore, #tpu.memory_space<semaphore_mem>>)
      %dma_wait3A = arith.constant 0 : i32
      %dma_wait3A_14 = tpu.memref_slice %arg10[%mul3A_2, %dma_wait3A] : memref<10240x128xf32, #tpu.memory_space<vmem_shared>> -> memref<640x128xf32, #tpu.memory_space<vmem_shared>>
      tpu.wait_dma2 semaphore(%run_scoped3A : memref<!tpu.dma_semaphore, #tpu.memory_space<semaphore_mem>>) src(%arg5 : memref<640x128xf32, #tpu.memory_space<hbm>>) dst(%dma_wait3A_14 : memref<640x128xf32, #tpu.memory_space<vmem_shared>>)
      tpu.yield
    }) : () -> ()
    %barrier3A = arith.constant 0 : index
    tpu.barrier barrier_id(%barrier3A)
    %scan3A = arith.constant 0 : i32
    %scan3A_3 = arith.constant 0 : i32
    %scan3A_4 = arith.constant 79 : i32
    %scan3A_5 = arith.addi %scan3A_3, %scan3A_4 : i32
    %scan3A_6 = arith.constant 1 : i32
    scf.for %scan3A_13 = %scan3A_3 to %scan3A_5 step %scan3A_6  : i32 {
      %mul3A_14 = arith.constant 10112 : i32
      %mul3A_15 = arith.muli %add3A, %mul3A_14 : i32
      %mul3A_16 = arith.constant 128 : i32
      %mul3A_17 = arith.muli %scan3A_13, %mul3A_16 : i32
      %add3A_18 = arith.addi %mul3A_15, %mul3A_17 : i32
      "tpu.region"() ({
        %run_scoped3A = tpu.sem_alloc : memref<!tpu.dma_semaphore, #tpu.memory_space<semaphore_mem>>
        %dma_start3A_23 = tpu.memref_slice %arg3[%add3A_18] : memref<323584xi32, #tpu.memory_space<hbm>> -> memref<128xi32, #tpu.memory_space<hbm>>
        %dma_start3A_24 = tpu.memref_slice %arg3[%add3A_18] : memref<323584xi32, #tpu.memory_space<hbm>> -> memref<128xi32, #tpu.memory_space<hbm>>
        tpu.enqueue_dma source(%dma_start3A_24 : memref<128xi32, #tpu.memory_space<hbm>>) target(%arg7 : memref<128xi32, #tpu.memory_space<vmem>>) target_semaphore(%run_scoped3A : memref<!tpu.dma_semaphore, #tpu.memory_space<semaphore_mem>>)
        %dma_wait3A_25 = tpu.memref_slice %arg3[%add3A_18] : memref<323584xi32, #tpu.memory_space<hbm>> -> memref<128xi32, #tpu.memory_space<hbm>>
        %dma_wait3A_26 = tpu.memref_slice %arg3[%add3A_18] : memref<323584xi32, #tpu.memory_space<hbm>> -> memref<128xi32, #tpu.memory_space<hbm>>
        tpu.wait_dma2 semaphore(%run_scoped3A : memref<!tpu.dma_semaphore, #tpu.memory_space<semaphore_mem>>) src(%dma_wait3A_26 : memref<128xi32, #tpu.memory_space<hbm>>) dst(%arg7 : memref<128xi32, #tpu.memory_space<vmem>>)
        tpu.yield
      }) : () -> ()
      "tpu.region"() ({
        %run_scoped3A = tpu.sem_alloc : memref<!tpu.dma_semaphore, #tpu.memory_space<semaphore_mem>>
        %dma_start3A_23 = tpu.memref_slice %arg4[%add3A_18] : memref<323584xi32, #tpu.memory_space<hbm>> -> memref<128xi32, #tpu.memory_space<hbm>>
        %dma_start3A_24 = tpu.memref_slice %arg4[%add3A_18] : memref<323584xi32, #tpu.memory_space<hbm>> -> memref<128xi32, #tpu.memory_space<hbm>>
        tpu.enqueue_dma source(%dma_start3A_24 : memref<128xi32, #tpu.memory_space<hbm>>) target(%arg8 : memref<128xi32, #tpu.memory_space<vmem>>) target_semaphore(%run_scoped3A : memref<!tpu.dma_semaphore, #tpu.memory_space<semaphore_mem>>)
        %dma_wait3A_25 = tpu.memref_slice %arg4[%add3A_18] : memref<323584xi32, #tpu.memory_space<hbm>> -> memref<128xi32, #tpu.memory_space<hbm>>
        %dma_wait3A_26 = tpu.memref_slice %arg4[%add3A_18] : memref<323584xi32, #tpu.memory_space<hbm>> -> memref<128xi32, #tpu.memory_space<hbm>>
        tpu.wait_dma2 semaphore(%run_scoped3A : memref<!tpu.dma_semaphore, #tpu.memory_space<semaphore_mem>>) src(%dma_wait3A_26 : memref<128xi32, #tpu.memory_space<hbm>>) dst(%arg8 : memref<128xi32, #tpu.memory_space<vmem>>)
        tpu.yield
      }) : () -> ()
      %dma_start3A = arith.constant 0 : i32
      %dma_start3A_19 = arith.constant 0 : i32
      %dma_start3A_20 = tpu.memref_slice %arg2[%dma_start3A, %dma_start3A_19] : memref<10240x128xf32, #tpu.memory_space<hbm>> -> memref<10240x128xf32, #tpu.memory_space<hbm>>
      tpu.enqueue_indirect_dma source(%dma_start3A_20 : memref<10240x128xf32, #tpu.memory_space<hbm>>) target(%arg9 : memref<128x128xf32, #tpu.memory_space<vmem>>) offsets(%arg7 : memref<128xi32, #tpu.memory_space<vmem>>) semaphore(%arg11 : memref<!tpu.dma_semaphore, #tpu.memory_space<semaphore_mem>>)
      %dma_wait3A = arith.constant 0 : i32
      %dma_wait3A_21 = arith.constant 0 : i32
      %dma_wait3A_22 = tpu.memref_slice %arg2[%dma_wait3A, %dma_wait3A_21] : memref<10240x128xf32, #tpu.memory_space<hbm>> -> memref<10240x128xf32, #tpu.memory_space<hbm>>
      tpu.wait_indirect_dma semaphore(%arg11 : memref<!tpu.dma_semaphore, #tpu.memory_space<semaphore_mem>>) src(%dma_wait3A_22 : memref<10240x128xf32, #tpu.memory_space<hbm>>) dst(%arg9 : memref<128x128xf32, #tpu.memory_space<vmem>>)
      "tpu.region"() ({
        %run_scoped3A = tpu.sem_alloc : memref<!tpu.dma_semaphore, #tpu.memory_space<semaphore_mem>>
        %dma_start3A_23 = arith.constant 0 : i32
        %dma_start3A_24 = arith.constant 0 : i32
        %dma_start3A_25 = tpu.memref_slice %arg10[%dma_start3A_23, %dma_start3A_24] : memref<10240x128xf32, #tpu.memory_space<vmem_shared>> -> memref<10240x128xf32, #tpu.memory_space<vmem_shared>>
        tpu.enqueue_indirect_dma source(%arg9 : memref<128x128xf32, #tpu.memory_space<vmem>>) target(%dma_start3A_25 : memref<10240x128xf32, #tpu.memory_space<vmem_shared>>) offsets(%arg8 : memref<128xi32, #tpu.memory_space<vmem>>) semaphore(%run_scoped3A : memref<!tpu.dma_semaphore, #tpu.memory_space<semaphore_mem>>) {add = true}
        %dma_wait3A_26 = arith.constant 0 : i32
        %dma_wait3A_27 = arith.constant 0 : i32
        %dma_wait3A_28 = tpu.memref_slice %arg10[%dma_wait3A_26, %dma_wait3A_27] : memref<10240x128xf32, #tpu.memory_space<vmem_shared>> -> memref<10240x128xf32, #tpu.memory_space<vmem_shared>>
        tpu.wait_indirect_dma semaphore(%run_scoped3A : memref<!tpu.dma_semaphore, #tpu.memory_space<semaphore_mem>>) src(%arg9 : memref<128x128xf32, #tpu.memory_space<vmem>>) dst(%dma_wait3A_28 : memref<10240x128xf32, #tpu.memory_space<vmem_shared>>)
        tpu.yield
      }) : () -> ()
    }
    %scan3A_7 = arith.constant 79 : i32
    %barrier3A_8 = arith.constant 0 : index
    tpu.barrier barrier_id(%barrier3A_8)
    %mul3A_9 = arith.constant 640 : i32
    %mul3A_10 = arith.muli %arg1, %mul3A_9 : i32
    %mul3A_11 = arith.constant 640 : i32
    %mul3A_12 = arith.muli %arg1, %mul3A_11 : i32
    "tpu.region"() ({
      %run_scoped3A = tpu.sem_alloc : memref<!tpu.dma_semaphore, #tpu.memory_space<semaphore_mem>>
      %dma_start3A = arith.constant 0 : i32
      %dma_start3A_13 = tpu.memref_slice %arg6[%arg0, %mul3A_12, %dma_start3A] : memref<2x10240x128xf32, #tpu.memory_space<hbm>> -> memref<1x640x128xf32, #tpu.memory_space<hbm>>
      %dma_start3A_14 = tpu.memref_squeeze %dma_start3A_13 : memref<1x640x128xf32, #tpu.memory_space<hbm>> -> memref<640x128xf32, #tpu.memory_space<hbm>>
      %dma_start3A_15 = arith.constant 0 : i32
      %dma_start3A_16 = tpu.memref_slice %arg10[%mul3A_10, %dma_start3A_15] : memref<10240x128xf32, #tpu.memory_space<vmem_shared>> -> memref<640x128xf32, #tpu.memory_space<vmem_shared>>
      tpu.enqueue_dma source(%dma_start3A_16 : memref<640x128xf32, #tpu.memory_space<vmem_shared>>) target(%dma_start3A_14 : memref<640x128xf32, #tpu.memory_space<hbm>>) target_semaphore(%run_scoped3A : memref<!tpu.dma_semaphore, #tpu.memory_space<semaphore_mem>>)
      %dma_wait3A = arith.constant 0 : i32
      %dma_wait3A_17 = tpu.memref_slice %arg6[%arg0, %mul3A_12, %dma_wait3A] : memref<2x10240x128xf32, #tpu.memory_space<hbm>> -> memref<1x640x128xf32, #tpu.memory_space<hbm>>
      %dma_wait3A_18 = tpu.memref_squeeze %dma_wait3A_17 : memref<1x640x128xf32, #tpu.memory_space<hbm>> -> memref<640x128xf32, #tpu.memory_space<hbm>>
      %dma_wait3A_19 = arith.constant 0 : i32
      %dma_wait3A_20 = tpu.memref_slice %arg10[%mul3A_10, %dma_wait3A_19] : memref<10240x128xf32, #tpu.memory_space<vmem_shared>> -> memref<640x128xf32, #tpu.memory_space<vmem_shared>>
      tpu.wait_dma2 semaphore(%run_scoped3A : memref<!tpu.dma_semaphore, #tpu.memory_space<semaphore_mem>>) src(%dma_wait3A_20 : memref<640x128xf32, #tpu.memory_space<vmem_shared>>) dst(%dma_wait3A_18 : memref<640x128xf32, #tpu.memory_space<hbm>>)
      tpu.yield
    }) : () -> ()
    return
  }
}

module attributes {stable_mosaic.version = 14 : i64} {
  func.func @_layer_body(%arg0: i32, %arg1: memref<2x1024x128xf32, #tpu.memory_space<vmem>>, %arg2: memref<1024x128xf32, #tpu.memory_space<vmem>>, %arg3: memref<1024x128xf32, #tpu.memory_space<vmem>>, %arg4: memref<2x1024x128xf32, #tpu.memory_space<vmem>>, %arg5: memref<128x128xf32, #tpu.memory_space<vmem>>, %arg6: memref<128x128xf32, #tpu.memory_space<vmem>>, %arg7: memref<1x128xf32, #tpu.memory_space<vmem>>, %arg8: memref<1x128xf32, #tpu.memory_space<vmem>>, %arg9: memref<1024x128xf32, #tpu.memory_space<vmem>>, %arg10: memref<1024x128xf32, #tpu.memory_space<vmem>>) attributes {dimension_semantics = [#tpu.dimension_semantics<arbitrary>], iteration_bounds = array<i64: 10>, scalar_prefetch = 0 : i64, scratch_operands = 0 : i64, tpu.core_type = #tpu.core_type<tc>, window_params = [{transform_indices = @transform_0, window_bounds = array<i64: 2, 1024, 128>}, {transform_indices = @transform_1, window_bounds = array<i64: 1024, 128>}, {transform_indices = @transform_2, window_bounds = array<i64: 1024, 128>}, {transform_indices = @transform_3, window_bounds = array<i64: 2, 1024, 128>}, {pipeline_mode = #tpu.pipeline_mode<synchronous>, transform_indices = @transform_4, window_bounds = array<i64: 128, 128>}, {pipeline_mode = #tpu.pipeline_mode<synchronous>, transform_indices = @transform_5, window_bounds = array<i64: 128, 128>}, {pipeline_mode = #tpu.pipeline_mode<synchronous>, transform_indices = @transform_6, window_bounds = array<i64: 1, 128>}, {pipeline_mode = #tpu.pipeline_mode<synchronous>, transform_indices = @transform_7, window_bounds = array<i64: 1, 128>}, {transform_indices = @transform_8, window_bounds = array<i64: 1024, 128>}, {transform_indices = @transform_9, window_bounds = array<i64: 1024, 128>}]} {
    %mul3A = arith.constant 1024 : i32
    %mul3A_0 = arith.muli %arg0, %mul3A : i32
    %iota3A = tpu.iota {dimensions = array<i32: 0>} : vector<1024x1xi32>
    %add3A = vector.broadcast %mul3A_0 : i32 to vector<1024x1xi32>
    %add3A_1 = arith.addi %add3A, %iota3A : vector<1024x1xi32>
    %lt3A = arith.constant 10000 : i32
    %lt3A_2 = vector.broadcast %lt3A : i32 to vector<1024x1xi32>
    %lt3A_3 = arith.cmpi slt, %add3A_1, %lt3A_2 : vector<1024x1xi32>
    %get3A = arith.constant 0 : index
    %get3A_4 = arith.constant 0 : index
    %get3A_5 = arith.constant 0 : index
    %get3A_6 = vector.load %arg4[%get3A, %get3A_4, %get3A_5] : memref<2x1024x128xf32, #tpu.memory_space<vmem>>, vector<1x1024x1xf32>
    %get3A_7 = vector.shape_cast %get3A_6 : vector<1x1024x1xf32> to vector<1024x1xf32>
    %get3A_8 = arith.constant 1 : index
    %get3A_9 = arith.constant 0 : index
    %get3A_10 = arith.constant 0 : index
    %get3A_11 = vector.load %arg4[%get3A_8, %get3A_9, %get3A_10] : memref<2x1024x128xf32, #tpu.memory_space<vmem>>, vector<1x1024x1xf32>
    %get3A_12 = vector.shape_cast %get3A_11 : vector<1x1024x1xf32> to vector<1024x1xf32>
    %add3A_13 = arith.addf %get3A_7, %get3A_12 : vector<1024x1xf32>
    %add3A_14 = arith.constant 1.000000e+00 : f32
    %add3A_15 = vector.broadcast %add3A_14 : f32 to vector<1024x1xf32>
    %add3A_16 = arith.addf %add3A_13, %add3A_15 : vector<1024x1xf32>
    %rsqrt3A = math.rsqrt %add3A_16 : vector<1024x1xf32>
    %jit3A = arith.constant 0.000000e+00 : f32
    %broadcast_in_dim3A = vector.broadcast %jit3A : f32 to vector<1024x1xf32>
    %select_n3A = arith.select %lt3A_3, %rsqrt3A, %broadcast_in_dim3A : vector<1024x1xi1>, vector<1024x1xf32>
    %get3A_17 = arith.constant 0 : index
    %get3A_18 = arith.constant 0 : index
    %get3A_19 = arith.constant 0 : index
    %get3A_20 = vector.load %arg1[%get3A_17, %get3A_18, %get3A_19] : memref<2x1024x128xf32, #tpu.memory_space<vmem>>, vector<1x1024x128xf32>
    %get3A_21 = vector.shape_cast %get3A_20 : vector<1x1024x128xf32> to vector<1024x128xf32>
    %get3A_22 = arith.constant 1 : index
    %get3A_23 = arith.constant 0 : index
    %get3A_24 = arith.constant 0 : index
    %get3A_25 = vector.load %arg1[%get3A_22, %get3A_23, %get3A_24] : memref<2x1024x128xf32, #tpu.memory_space<vmem>>, vector<1x1024x128xf32>
    %get3A_26 = vector.shape_cast %get3A_25 : vector<1x1024x128xf32> to vector<1024x128xf32>
    %add3A_27 = arith.addf %get3A_21, %get3A_26 : vector<1024x128xf32>
    %get3A_28 = arith.constant 0 : index
    %get3A_29 = arith.constant 0 : index
    %get3A_30 = vector.load %arg2[%get3A_28, %get3A_29] : memref<1024x128xf32, #tpu.memory_space<vmem>>, vector<1024x128xf32>
    %add3A_31 = arith.addf %add3A_27, %get3A_30 : vector<1024x128xf32>
    %mul3A_32 = vector.broadcast %select_n3A : vector<1024x1xf32> to vector<1024x128xf32>
    %mul3A_33 = arith.mulf %mul3A_32, %add3A_31 : vector<1024x128xf32>
    %get3A_34 = arith.constant 0 : index
    %get3A_35 = arith.constant 0 : index
    %get3A_36 = vector.load %arg3[%get3A_34, %get3A_35] : memref<1024x128xf32, #tpu.memory_space<vmem>>, vector<1024x128xf32>
    %add3A_37 = arith.addf %mul3A_33, %get3A_36 : vector<1024x128xf32>
    %max3A = arith.constant 0.000000e+00 : f32
    %max3A_38 = vector.broadcast %max3A : f32 to vector<1024x128xf32>
    %max3A_39 = arith.maximumf %add3A_37, %max3A_38 : vector<1024x128xf32>
    %jit3A_40 = arith.constant 0.000000e+00 : f32
    %broadcast_in_dim3A_41 = vector.shape_cast %lt3A_3 : vector<1024x1xi1> to vector<1024x1xi1>
    %broadcast_in_dim3A_42 = vector.broadcast %broadcast_in_dim3A_41 : vector<1024x1xi1> to vector<1024x128xi1>
    %broadcast_in_dim3A_43 = vector.broadcast %jit3A_40 : f32 to vector<1024x128xf32>
    %select_n3A_44 = arith.select %broadcast_in_dim3A_42, %max3A_39, %broadcast_in_dim3A_43 : vector<1024x128xi1>, vector<1024x128xf32>
    %get3A_45 = arith.constant 0 : index
    %get3A_46 = arith.constant 0 : index
    %get3A_47 = vector.load %arg5[%get3A_45, %get3A_46] : memref<128x128xf32, #tpu.memory_space<vmem>>, vector<128x128xf32>
    %dot_general3A = arith.constant dense<0.000000e+00> : vector<1024x128xf32>
    %dot_general3A_48 = tpu.matmul %select_n3A_44, %get3A_47, %dot_general3A {dimension_numbers = #tpu.dot_dimension_numbers<[1], [0], [0], [1], [0, 0, 1, 1], [], []>, transpose_lhs_hint = false} : vector<1024x128xf32>, vector<128x128xf32>, vector<1024x128xf32> -> vector<1024x128xf32>
    %get3A_49 = arith.constant 0 : index
    %get3A_50 = arith.constant 0 : index
    %get3A_51 = vector.load %arg6[%get3A_49, %get3A_50] : memref<128x128xf32, #tpu.memory_space<vmem>>, vector<128x128xf32>
    %dot_general3A_52 = arith.constant dense<0.000000e+00> : vector<1024x128xf32>
    %dot_general3A_53 = tpu.matmul %select_n3A_44, %get3A_51, %dot_general3A_52 {dimension_numbers = #tpu.dot_dimension_numbers<[1], [0], [0], [1], [0, 0, 1, 1], [], []>, transpose_lhs_hint = false} : vector<1024x128xf32>, vector<128x128xf32>, vector<1024x128xf32> -> vector<1024x128xf32>
    %mul3A_54 = vector.broadcast %select_n3A : vector<1024x1xf32> to vector<1024x128xf32>
    %mul3A_55 = arith.mulf %mul3A_54, %dot_general3A_48 : vector<1024x128xf32>
    %swap3A = arith.constant 0 : index
    %swap3A_56 = arith.constant 0 : index
    %swap3A_57 = vector.load %arg9[%swap3A, %swap3A_56] : memref<1024x128xf32, #tpu.memory_space<vmem>>, vector<1024x128xf32>
    tpu.vector_store %arg9[%swap3A, %swap3A_56], %mul3A_55 {strides = array<i32>} : memref<1024x128xf32, #tpu.memory_space<vmem>>, vector<1024x128xf32>,
    %sub3A = arith.subf %dot_general3A_53, %dot_general3A_48 : vector<1024x128xf32>
    %get3A_58 = arith.constant 0 : index
    %get3A_59 = arith.constant 0 : index
    %get3A_60 = vector.load %arg7[%get3A_58, %get3A_59] : memref<1x128xf32, #tpu.memory_space<vmem>>, vector<1x128xf32>
    %add3A_61 = vector.broadcast %get3A_60 : vector<1x128xf32> to vector<1024x128xf32>
    %add3A_62 = arith.addf %sub3A, %add3A_61 : vector<1024x128xf32>
    %get3A_63 = arith.constant 0 : index
    %get3A_64 = arith.constant 0 : index
    %get3A_65 = vector.load %arg8[%get3A_63, %get3A_64] : memref<1x128xf32, #tpu.memory_space<vmem>>, vector<1x128xf32>
    %add3A_66 = vector.broadcast %get3A_65 : vector<1x128xf32> to vector<1024x128xf32>
    %add3A_67 = arith.addf %add3A_62, %add3A_66 : vector<1024x128xf32>
    %swap3A_68 = arith.constant 0 : index
    %swap3A_69 = arith.constant 0 : index
    %swap3A_70 = vector.load %arg10[%swap3A_68, %swap3A_69] : memref<1024x128xf32, #tpu.memory_space<vmem>>, vector<1024x128xf32>
    tpu.vector_store %arg10[%swap3A_68, %swap3A_69], %add3A_67 {strides = array<i32>} : memref<1024x128xf32, #tpu.memory_space<vmem>>, vector<1024x128xf32>,
    return
  }
  func.func @transform_0(%arg0: i32) -> (i32, i32, i32) {
    %c0_i32 = arith.constant 0 : i32
    %c0_i32_0 = arith.constant 0 : i32
    %c0_i32_1 = arith.constant 0 : i32
    return %c0_i32, %arg0, %c0_i32_0 : i32, i32, i32
  }
  func.func @transform_1(%arg0: i32) -> (i32, i32) {
    %c0_i32 = arith.constant 0 : i32
    %c0_i32_0 = arith.constant 0 : i32
    return %arg0, %c0_i32 : i32, i32
  }
  func.func @transform_2(%arg0: i32) -> (i32, i32) {
    %c0_i32 = arith.constant 0 : i32
    %c0_i32_0 = arith.constant 0 : i32
    return %arg0, %c0_i32 : i32, i32
  }
  func.func @transform_3(%arg0: i32) -> (i32, i32, i32) {
    %c0_i32 = arith.constant 0 : i32
    %c0_i32_0 = arith.constant 0 : i32
    %c0_i32_1 = arith.constant 0 : i32
    return %c0_i32, %arg0, %c0_i32_0 : i32, i32, i32
  }
  func.func @transform_4(%arg0: i32) -> (i32, i32) {
    %c0_i32 = arith.constant 0 : i32
    %c0_i32_0 = arith.constant 0 : i32
    %c0_i32_1 = arith.constant 0 : i32
    return %c0_i32, %c0_i32_0 : i32, i32
  }
  func.func @transform_5(%arg0: i32) -> (i32, i32) {
    %c0_i32 = arith.constant 0 : i32
    %c0_i32_0 = arith.constant 0 : i32
    %c0_i32_1 = arith.constant 0 : i32
    return %c0_i32, %c0_i32_0 : i32, i32
  }
  func.func @transform_6(%arg0: i32) -> (i32, i32) {
    %c0_i32 = arith.constant 0 : i32
    %c0_i32_0 = arith.constant 0 : i32
    %c0_i32_1 = arith.constant 0 : i32
    return %c0_i32, %c0_i32_0 : i32, i32
  }
  func.func @transform_7(%arg0: i32) -> (i32, i32) {
    %c0_i32 = arith.constant 0 : i32
    %c0_i32_0 = arith.constant 0 : i32
    %c0_i32_1 = arith.constant 0 : i32
    return %c0_i32, %c0_i32_0 : i32, i32
  }
  func.func @transform_8(%arg0: i32) -> (i32, i32) {
    %c0_i32 = arith.constant 0 : i32
    %c0_i32_0 = arith.constant 0 : i32
    return %arg0, %c0_i32 : i32, i32
  }
  func.func @transform_9(%arg0: i32) -> (i32, i32) {
    %c0_i32 = arith.constant 0 : i32
    %c0_i32_0 = arith.constant 0 : i32
    return %arg0, %c0_i32 : i32, i32
  }
}

module attributes {stable_mosaic.version = 14 : i64} {
  func.func @_enc_body(%arg0: i32, %arg1: memref<1024x128xf32, #tpu.memory_space<vmem>>, %arg2: memref<2x1024x128xf32, #tpu.memory_space<vmem>>, %arg3: memref<128x128xf32, #tpu.memory_space<vmem>>, %arg4: memref<1x128xf32, #tpu.memory_space<vmem>>, %arg5: memref<128x128xf32, #tpu.memory_space<vmem>>, %arg6: memref<128x128xf32, #tpu.memory_space<vmem>>, %arg7: memref<1x128xf32, #tpu.memory_space<vmem>>, %arg8: memref<1x128xf32, #tpu.memory_space<vmem>>, %arg9: memref<1024x128xf32, #tpu.memory_space<vmem>>, %arg10: memref<1024x128xf32, #tpu.memory_space<vmem>>) attributes {dimension_semantics = [#tpu.dimension_semantics<arbitrary>], iteration_bounds = array<i64: 10>, scalar_prefetch = 0 : i64, scratch_operands = 0 : i64, tpu.core_type = #tpu.core_type<tc>, window_params = [{transform_indices = @transform_0, window_bounds = array<i64: 1024, 128>}, {transform_indices = @transform_1, window_bounds = array<i64: 2, 1024, 128>}, {pipeline_mode = #tpu.pipeline_mode<synchronous>, transform_indices = @transform_2, window_bounds = array<i64: 128, 128>}, {pipeline_mode = #tpu.pipeline_mode<synchronous>, transform_indices = @transform_3, window_bounds = array<i64: 1, 128>}, {pipeline_mode = #tpu.pipeline_mode<synchronous>, transform_indices = @transform_4, window_bounds = array<i64: 128, 128>}, {pipeline_mode = #tpu.pipeline_mode<synchronous>, transform_indices = @transform_5, window_bounds = array<i64: 128, 128>}, {pipeline_mode = #tpu.pipeline_mode<synchronous>, transform_indices = @transform_6, window_bounds = array<i64: 1, 128>}, {pipeline_mode = #tpu.pipeline_mode<synchronous>, transform_indices = @transform_7, window_bounds = array<i64: 1, 128>}, {transform_indices = @transform_8, window_bounds = array<i64: 1024, 128>}, {transform_indices = @transform_9, window_bounds = array<i64: 1024, 128>}]} {
    %mul3A = arith.constant 1024 : i32
    %mul3A_0 = arith.muli %arg0, %mul3A : i32
    %iota3A = tpu.iota {dimensions = array<i32: 0>} : vector<1024x1xi32>
    %add3A = vector.broadcast %mul3A_0 : i32 to vector<1024x1xi32>
    %add3A_1 = arith.addi %add3A, %iota3A : vector<1024x1xi32>
    %lt3A = arith.constant 10000 : i32
    %lt3A_2 = vector.broadcast %lt3A : i32 to vector<1024x1xi32>
    %lt3A_3 = arith.cmpi slt, %add3A_1, %lt3A_2 : vector<1024x1xi32>
    %get3A = arith.constant 0 : index
    %get3A_4 = arith.constant 0 : index
    %get3A_5 = arith.constant 0 : index
    %get3A_6 = vector.load %arg2[%get3A, %get3A_4, %get3A_5] : memref<2x1024x128xf32, #tpu.memory_space<vmem>>, vector<1x1024x1xf32>
    %get3A_7 = vector.shape_cast %get3A_6 : vector<1x1024x1xf32> to vector<1024x1xf32>
    %get3A_8 = arith.constant 1 : index
    %get3A_9 = arith.constant 0 : index
    %get3A_10 = arith.constant 0 : index
    %get3A_11 = vector.load %arg2[%get3A_8, %get3A_9, %get3A_10] : memref<2x1024x128xf32, #tpu.memory_space<vmem>>, vector<1x1024x1xf32>
    %get3A_12 = vector.shape_cast %get3A_11 : vector<1x1024x1xf32> to vector<1024x1xf32>
    %add3A_13 = arith.addf %get3A_7, %get3A_12 : vector<1024x1xf32>
    %add3A_14 = arith.constant 1.000000e+00 : f32
    %add3A_15 = vector.broadcast %add3A_14 : f32 to vector<1024x1xf32>
    %add3A_16 = arith.addf %add3A_13, %add3A_15 : vector<1024x1xf32>
    %rsqrt3A = math.rsqrt %add3A_16 : vector<1024x1xf32>
    %jit3A = arith.constant 0.000000e+00 : f32
    %broadcast_in_dim3A = vector.broadcast %jit3A : f32 to vector<1024x1xf32>
    %select_n3A = arith.select %lt3A_3, %rsqrt3A, %broadcast_in_dim3A : vector<1024x1xi1>, vector<1024x1xf32>
    %get3A_17 = arith.constant 0 : index
    %get3A_18 = arith.constant 0 : index
    %get3A_19 = vector.load %arg1[%get3A_17, %get3A_18] : memref<1024x128xf32, #tpu.memory_space<vmem>>, vector<1024x128xf32>
    %get3A_20 = arith.constant 0 : index
    %get3A_21 = arith.constant 0 : index
    %get3A_22 = vector.load %arg3[%get3A_20, %get3A_21] : memref<128x128xf32, #tpu.memory_space<vmem>>, vector<128x128xf32>
    %dot_general3A = arith.constant dense<0.000000e+00> : vector<1024x128xf32>
    %dot_general3A_23 = tpu.matmul %get3A_19, %get3A_22, %dot_general3A {dimension_numbers = #tpu.dot_dimension_numbers<[1], [0], [0], [1], [0, 0, 1, 1], [], []>, transpose_lhs_hint = false} : vector<1024x128xf32>, vector<128x128xf32>, vector<1024x128xf32> -> vector<1024x128xf32>
    %get3A_24 = arith.constant 0 : index
    %get3A_25 = arith.constant 0 : index
    %get3A_26 = vector.load %arg4[%get3A_24, %get3A_25] : memref<1x128xf32, #tpu.memory_space<vmem>>, vector<1x128xf32>
    %add3A_27 = vector.broadcast %get3A_26 : vector<1x128xf32> to vector<1024x128xf32>
    %add3A_28 = arith.addf %dot_general3A_23, %add3A_27 : vector<1024x128xf32>
    %jit3A_29 = arith.constant 0.000000e+00 : f32
    %broadcast_in_dim3A_30 = vector.shape_cast %lt3A_3 : vector<1024x1xi1> to vector<1024x1xi1>
    %broadcast_in_dim3A_31 = vector.broadcast %broadcast_in_dim3A_30 : vector<1024x1xi1> to vector<1024x128xi1>
    %broadcast_in_dim3A_32 = vector.broadcast %jit3A_29 : f32 to vector<1024x128xf32>
    %select_n3A_33 = arith.select %broadcast_in_dim3A_31, %add3A_28, %broadcast_in_dim3A_32 : vector<1024x128xi1>, vector<1024x128xf32>
    %get3A_34 = arith.constant 0 : index
    %get3A_35 = arith.constant 0 : index
    %get3A_36 = vector.load %arg5[%get3A_34, %get3A_35] : memref<128x128xf32, #tpu.memory_space<vmem>>, vector<128x128xf32>
    %dot_general3A_37 = arith.constant dense<0.000000e+00> : vector<1024x128xf32>
    %dot_general3A_38 = tpu.matmul %select_n3A_33, %get3A_36, %dot_general3A_37 {dimension_numbers = #tpu.dot_dimension_numbers<[1], [0], [0], [1], [0, 0, 1, 1], [], []>, transpose_lhs_hint = false} : vector<1024x128xf32>, vector<128x128xf32>, vector<1024x128xf32> -> vector<1024x128xf32>
    %get3A_39 = arith.constant 0 : index
    %get3A_40 = arith.constant 0 : index
    %get3A_41 = vector.load %arg6[%get3A_39, %get3A_40] : memref<128x128xf32, #tpu.memory_space<vmem>>, vector<128x128xf32>
    %dot_general3A_42 = arith.constant dense<0.000000e+00> : vector<1024x128xf32>
    %dot_general3A_43 = tpu.matmul %select_n3A_33, %get3A_41, %dot_general3A_42 {dimension_numbers = #tpu.dot_dimension_numbers<[1], [0], [0], [1], [0, 0, 1, 1], [], []>, transpose_lhs_hint = false} : vector<1024x128xf32>, vector<128x128xf32>, vector<1024x128xf32> -> vector<1024x128xf32>
    %mul3A_44 = vector.broadcast %select_n3A : vector<1024x1xf32> to vector<1024x128xf32>
    %mul3A_45 = arith.mulf %mul3A_44, %dot_general3A_38 : vector<1024x128xf32>
    %swap3A = arith.constant 0 : index
    %swap3A_46 = arith.constant 0 : index
    %swap3A_47 = vector.load %arg9[%swap3A, %swap3A_46] : memref<1024x128xf32, #tpu.memory_space<vmem>>, vector<1024x128xf32>
    tpu.vector_store %arg9[%swap3A, %swap3A_46], %mul3A_45 {strides = array<i32>} : memref<1024x128xf32, #tpu.memory_space<vmem>>, vector<1024x128xf32>,
    %sub3A = arith.subf %dot_general3A_43, %dot_general3A_38 : vector<1024x128xf32>
    %get3A_48 = arith.constant 0 : index
    %get3A_49 = arith.constant 0 : index
    %get3A_50 = vector.load %arg7[%get3A_48, %get3A_49] : memref<1x128xf32, #tpu.memory_space<vmem>>, vector<1x128xf32>
    %add3A_51 = vector.broadcast %get3A_50 : vector<1x128xf32> to vector<1024x128xf32>
    %add3A_52 = arith.addf %sub3A, %add3A_51 : vector<1024x128xf32>
    %get3A_53 = arith.constant 0 : index
    %get3A_54 = arith.constant 0 : index
    %get3A_55 = vector.load %arg8[%get3A_53, %get3A_54] : memref<1x128xf32, #tpu.memory_space<vmem>>, vector<1x128xf32>
    %add3A_56 = vector.broadcast %get3A_55 : vector<1x128xf32> to vector<1024x128xf32>
    %add3A_57 = arith.addf %add3A_52, %add3A_56 : vector<1024x128xf32>
    %swap3A_58 = arith.constant 0 : index
    %swap3A_59 = arith.constant 0 : index
    %swap3A_60 = vector.load %arg10[%swap3A_58, %swap3A_59] : memref<1024x128xf32, #tpu.memory_space<vmem>>, vector<1024x128xf32>
    tpu.vector_store %arg10[%swap3A_58, %swap3A_59], %add3A_57 {strides = array<i32>} : memref<1024x128xf32, #tpu.memory_space<vmem>>, vector<1024x128xf32>,
    return
  }
  func.func @transform_0(%arg0: i32) -> (i32, i32) {
    %c0_i32 = arith.constant 0 : i32
    %c0_i32_0 = arith.constant 0 : i32
    return %arg0, %c0_i32 : i32, i32
  }
  func.func @transform_1(%arg0: i32) -> (i32, i32, i32) {
    %c0_i32 = arith.constant 0 : i32
    %c0_i32_0 = arith.constant 0 : i32
    %c0_i32_1 = arith.constant 0 : i32
    return %c0_i32, %arg0, %c0_i32_0 : i32, i32, i32
  }
  func.func @transform_2(%arg0: i32) -> (i32, i32) {
    %c0_i32 = arith.constant 0 : i32
    %c0_i32_0 = arith.constant 0 : i32
    %c0_i32_1 = arith.constant 0 : i32
    return %c0_i32, %c0_i32_0 : i32, i32
  }
  func.func @transform_3(%arg0: i32) -> (i32, i32) {
    %c0_i32 = arith.constant 0 : i32
    %c0_i32_0 = arith.constant 0 : i32
    %c0_i32_1 = arith.constant 0 : i32
    return %c0_i32, %c0_i32_0 : i32, i32
  }
  func.func @transform_4(%arg0: i32) -> (i32, i32) {
    %c0_i32 = arith.constant 0 : i32
    %c0_i32_0 = arith.constant 0 : i32
    %c0_i32_1 = arith.constant 0 : i32
    return %c0_i32, %c0_i32_0 : i32, i32
  }
  func.func @transform_5(%arg0: i32) -> (i32, i32) {
    %c0_i32 = arith.constant 0 : i32
    %c0_i32_0 = arith.constant 0 : i32
    %c0_i32_1 = arith.constant 0 : i32
    return %c0_i32, %c0_i32_0 : i32, i32
  }
  func.func @transform_6(%arg0: i32) -> (i32, i32) {
    %c0_i32 = arith.constant 0 : i32
    %c0_i32_0 = arith.constant 0 : i32
    %c0_i32_1 = arith.constant 0 : i32
    return %c0_i32, %c0_i32_0 : i32, i32
  }
  func.func @transform_7(%arg0: i32) -> (i32, i32) {
    %c0_i32 = arith.constant 0 : i32
    %c0_i32_0 = arith.constant 0 : i32
    %c0_i32_1 = arith.constant 0 : i32
    return %c0_i32, %c0_i32_0 : i32, i32
  }
  func.func @transform_8(%arg0: i32) -> (i32, i32) {
    %c0_i32 = arith.constant 0 : i32
    %c0_i32_0 = arith.constant 0 : i32
    return %arg0, %c0_i32 : i32, i32
  }
  func.func @transform_9(%arg0: i32) -> (i32, i32) {
    %c0_i32 = arith.constant 0 : i32
    %c0_i32_0 = arith.constant 0 : i32
    return %arg0, %c0_i32 : i32, i32
  }
}

module attributes {stable_mosaic.version = 14 : i64} {
  func.func @_final_body(%arg0: i32, %arg1: memref<2x1024x128xf32, #tpu.memory_space<vmem>>, %arg2: memref<1024x128xf32, #tpu.memory_space<vmem>>, %arg3: memref<1024x128xf32, #tpu.memory_space<vmem>>, %arg4: memref<2x1024x128xf32, #tpu.memory_space<vmem>>, %arg5: memref<1x1x1024xi32, #tpu.memory_space<vmem>>, %arg6: memref<128x128xf32, #tpu.memory_space<vmem>>, %arg7: memref<1x128xf32, #tpu.memory_space<vmem>>, %arg8: memref<16x128xf32, #tpu.memory_space<vmem>>, %arg9: memref<16x128xf32, #tpu.memory_space<vmem>>, %arg10: memref<16x128xf32, #tpu.memory_space<vmem>>) attributes {dimension_semantics = [#tpu.dimension_semantics<arbitrary>], iteration_bounds = array<i64: 10>, scalar_prefetch = 0 : i64, scratch_operands = 2 : i64, tpu.core_type = #tpu.core_type<tc>, window_params = [{transform_indices = @transform_0, window_bounds = array<i64: 2, 1024, 128>}, {transform_indices = @transform_1, window_bounds = array<i64: 1024, 128>}, {transform_indices = @transform_2, window_bounds = array<i64: 1024, 128>}, {transform_indices = @transform_3, window_bounds = array<i64: 2, 1024, 128>}, {transform_indices = @transform_4, window_bounds = array<i64: 1, 1, 1024>}, {pipeline_mode = #tpu.pipeline_mode<synchronous>, transform_indices = @transform_5, window_bounds = array<i64: 128, 128>}, {pipeline_mode = #tpu.pipeline_mode<synchronous>, transform_indices = @transform_6, window_bounds = array<i64: 1, 128>}, {pipeline_mode = #tpu.pipeline_mode<synchronous>, transform_indices = @transform_7, window_bounds = array<i64: 16, 128>}]} {
    %eq3A = arith.constant 0 : i32
    %eq3A_0 = arith.cmpi eq, %arg0, %eq3A : i32
    %convert_element_type3A = arith.extui %eq3A_0 : i1 to i32
    %cond3A = arith.constant 0 : i32
    %cond3A_1 = arith.cmpi ne, %convert_element_type3A, %cond3A : i32
    scf.if %cond3A_1 {
      %broadcast_in_dim3A_79 = arith.constant 0.000000e+00 : f32
      %broadcast_in_dim3A_80 = vector.broadcast %broadcast_in_dim3A_79 : f32 to vector<16x128xf32>
      %swap3A_81 = arith.constant 0 : index
      %swap3A_82 = arith.constant 0 : index
      %swap3A_83 = vector.load %arg9[%swap3A_81, %swap3A_82] : memref<16x128xf32, #tpu.memory_space<vmem>>, vector<16x128xf32>
      tpu.vector_store %arg9[%swap3A_81, %swap3A_82], %broadcast_in_dim3A_80 {strides = array<i32>} : memref<16x128xf32, #tpu.memory_space<vmem>>, vector<16x128xf32>,
      %broadcast_in_dim3A_84 = arith.constant 0.000000e+00 : f32
      %broadcast_in_dim3A_85 = vector.broadcast %broadcast_in_dim3A_84 : f32 to vector<16x128xf32>
      %swap3A_86 = arith.constant 0 : index
      %swap3A_87 = arith.constant 0 : index
      %swap3A_88 = vector.load %arg10[%swap3A_86, %swap3A_87] : memref<16x128xf32, #tpu.memory_space<vmem>>, vector<16x128xf32>
      tpu.vector_store %arg10[%swap3A_86, %swap3A_87], %broadcast_in_dim3A_85 {strides = array<i32>} : memref<16x128xf32, #tpu.memory_space<vmem>>, vector<16x128xf32>,
    } else {
    }
    %mul3A = arith.constant 1024 : i32
    %mul3A_2 = arith.muli %arg0, %mul3A : i32
    %iota3A = tpu.iota {dimensions = array<i32: 0>} : vector<1024x1xi32>
    %add3A = vector.broadcast %mul3A_2 : i32 to vector<1024x1xi32>
    %add3A_3 = arith.addi %add3A, %iota3A : vector<1024x1xi32>
    %lt3A = arith.constant 10000 : i32
    %lt3A_4 = vector.broadcast %lt3A : i32 to vector<1024x1xi32>
    %lt3A_5 = arith.cmpi slt, %add3A_3, %lt3A_4 : vector<1024x1xi32>
    %get3A = arith.constant 0 : index
    %get3A_6 = arith.constant 0 : index
    %get3A_7 = arith.constant 0 : index
    %get3A_8 = vector.load %arg4[%get3A, %get3A_6, %get3A_7] : memref<2x1024x128xf32, #tpu.memory_space<vmem>>, vector<1x1024x1xf32>
    %get3A_9 = vector.shape_cast %get3A_8 : vector<1x1024x1xf32> to vector<1024x1xf32>
    %get3A_10 = arith.constant 1 : index
    %get3A_11 = arith.constant 0 : index
    %get3A_12 = arith.constant 0 : index
    %get3A_13 = vector.load %arg4[%get3A_10, %get3A_11, %get3A_12] : memref<2x1024x128xf32, #tpu.memory_space<vmem>>, vector<1x1024x1xf32>
    %get3A_14 = vector.shape_cast %get3A_13 : vector<1x1024x1xf32> to vector<1024x1xf32>
    %add3A_15 = arith.addf %get3A_9, %get3A_14 : vector<1024x1xf32>
    %add3A_16 = arith.constant 1.000000e+00 : f32
    %add3A_17 = vector.broadcast %add3A_16 : f32 to vector<1024x1xf32>
    %add3A_18 = arith.addf %add3A_15, %add3A_17 : vector<1024x1xf32>
    %rsqrt3A = math.rsqrt %add3A_18 : vector<1024x1xf32>
    %jit3A = arith.constant 0.000000e+00 : f32
    %broadcast_in_dim3A = vector.broadcast %jit3A : f32 to vector<1024x1xf32>
    %select_n3A = arith.select %lt3A_5, %rsqrt3A, %broadcast_in_dim3A : vector<1024x1xi1>, vector<1024x1xf32>
    %get3A_19 = arith.constant 0 : index
    %get3A_20 = arith.constant 0 : index
    %get3A_21 = arith.constant 0 : index
    %get3A_22 = vector.load %arg1[%get3A_19, %get3A_20, %get3A_21] : memref<2x1024x128xf32, #tpu.memory_space<vmem>>, vector<1x1024x128xf32>
    %get3A_23 = vector.shape_cast %get3A_22 : vector<1x1024x128xf32> to vector<1024x128xf32>
    %get3A_24 = arith.constant 1 : index
    %get3A_25 = arith.constant 0 : index
    %get3A_26 = arith.constant 0 : index
    %get3A_27 = vector.load %arg1[%get3A_24, %get3A_25, %get3A_26] : memref<2x1024x128xf32, #tpu.memory_space<vmem>>, vector<1x1024x128xf32>
    %get3A_28 = vector.shape_cast %get3A_27 : vector<1x1024x128xf32> to vector<1024x128xf32>
    %add3A_29 = arith.addf %get3A_23, %get3A_28 : vector<1024x128xf32>
    %get3A_30 = arith.constant 0 : index
    %get3A_31 = arith.constant 0 : index
    %get3A_32 = vector.load %arg2[%get3A_30, %get3A_31] : memref<1024x128xf32, #tpu.memory_space<vmem>>, vector<1024x128xf32>
    %add3A_33 = arith.addf %add3A_29, %get3A_32 : vector<1024x128xf32>
    %mul3A_34 = vector.broadcast %select_n3A : vector<1024x1xf32> to vector<1024x128xf32>
    %mul3A_35 = arith.mulf %mul3A_34, %add3A_33 : vector<1024x128xf32>
    %get3A_36 = arith.constant 0 : index
    %get3A_37 = arith.constant 0 : index
    %get3A_38 = vector.load %arg3[%get3A_36, %get3A_37] : memref<1024x128xf32, #tpu.memory_space<vmem>>, vector<1024x128xf32>
    %add3A_39 = arith.addf %mul3A_35, %get3A_38 : vector<1024x128xf32>
    %max3A = arith.constant 0.000000e+00 : f32
    %max3A_40 = vector.broadcast %max3A : f32 to vector<1024x128xf32>
    %max3A_41 = arith.maximumf %add3A_39, %max3A_40 : vector<1024x128xf32>
    %jit3A_42 = arith.constant 0.000000e+00 : f32
    %broadcast_in_dim3A_43 = vector.shape_cast %lt3A_5 : vector<1024x1xi1> to vector<1024x1xi1>
    %broadcast_in_dim3A_44 = vector.broadcast %broadcast_in_dim3A_43 : vector<1024x1xi1> to vector<1024x128xi1>
    %broadcast_in_dim3A_45 = vector.broadcast %jit3A_42 : f32 to vector<1024x128xf32>
    %select_n3A_46 = arith.select %broadcast_in_dim3A_44, %max3A_41, %broadcast_in_dim3A_45 : vector<1024x128xi1>, vector<1024x128xf32>
    %get3A_47 = arith.constant 0 : index
    %get3A_48 = arith.constant 0 : index
    %get3A_49 = arith.constant 0 : index
    %get3A_50 = vector.load %arg5[%get3A_47, %get3A_48, %get3A_49] : memref<1x1x1024xi32, #tpu.memory_space<vmem>>, vector<1x1x1024xi32>
    %get3A_51 = vector.shape_cast %get3A_50 : vector<1x1x1024xi32> to vector<1x1024xi32>
    %iota3A_52 = tpu.iota {dimensions = array<i32: 0>} : vector<16x1024xi32>
    %eq3A_53 = vector.broadcast %get3A_51 : vector<1x1024xi32> to vector<16x1024xi32>
    %eq3A_54 = arith.cmpi eq, %eq3A_53, %iota3A_52 : vector<16x1024xi32>
    %convert_element_type3A_55 = arith.extui %eq3A_54 : vector<16x1024xi1> to vector<16x1024xi32>
    %convert_element_type3A_56 = arith.sitofp %convert_element_type3A_55 : vector<16x1024xi32> to vector<16x1024xf32>
    %get3A_57 = arith.constant 0 : index
    %get3A_58 = arith.constant 0 : index
    %get3A_59 = vector.load %arg9[%get3A_57, %get3A_58] : memref<16x128xf32, #tpu.memory_space<vmem>>, vector<16x128xf32>
    %dot_general3A = arith.constant dense<0.000000e+00> : vector<16x128xf32>
    %dot_general3A_60 = tpu.matmul %convert_element_type3A_56, %select_n3A_46, %dot_general3A {dimension_numbers = #tpu.dot_dimension_numbers<[1], [0], [0], [1], [0, 0, 1, 1], [], []>, transpose_lhs_hint = false} : vector<16x1024xf32>, vector<1024x128xf32>, vector<16x128xf32> -> vector<16x128xf32>
    %add3A_61 = arith.addf %get3A_59, %dot_general3A_60 : vector<16x128xf32>
    %swap3A = arith.constant 0 : index
    %swap3A_62 = arith.constant 0 : index
    %swap3A_63 = vector.load %arg9[%swap3A, %swap3A_62] : memref<16x128xf32, #tpu.memory_space<vmem>>, vector<16x128xf32>
    tpu.vector_store %arg9[%swap3A, %swap3A_62], %add3A_61 {strides = array<i32>} : memref<16x128xf32, #tpu.memory_space<vmem>>, vector<16x128xf32>,
    %get3A_64 = arith.constant 0 : index
    %get3A_65 = arith.constant 0 : index
    %get3A_66 = vector.load %arg10[%get3A_64, %get3A_65] : memref<16x128xf32, #tpu.memory_space<vmem>>, vector<16x128xf32>
    %reduce_sum3A = arith.constant dense<0.000000e+00> : vector<16xf32>
    %reduce_sum3A_67 = vector.multi_reduction <add>, %convert_element_type3A_56, %reduce_sum3A [1] : vector<16x1024xf32> to vector<16xf32>
    %broadcast_in_dim3A_68 = vector.shape_cast %reduce_sum3A_67 : vector<16xf32> to vector<16x1xf32>
    %add3A_69 = vector.broadcast %broadcast_in_dim3A_68 : vector<16x1xf32> to vector<16x128xf32>
    %add3A_70 = arith.addf %get3A_66, %add3A_69 : vector<16x128xf32>
    %swap3A_71 = arith.constant 0 : index
    %swap3A_72 = arith.constant 0 : index
    %swap3A_73 = vector.load %arg10[%swap3A_71, %swap3A_72] : memref<16x128xf32, #tpu.memory_space<vmem>>, vector<16x128xf32>
    tpu.vector_store %arg10[%swap3A_71, %swap3A_72], %add3A_70 {strides = array<i32>} : memref<16x128xf32, #tpu.memory_space<vmem>>, vector<16x128xf32>,
    %eq3A_74 = arith.constant 9 : i32
    %eq3A_75 = arith.cmpi eq, %arg0, %eq3A_74 : i32
    %convert_element_type3A_76 = arith.extui %eq3A_75 : i1 to i32
    %cond3A_77 = arith.constant 0 : i32
    %cond3A_78 = arith.cmpi ne, %convert_element_type3A_76, %cond3A_77 : i32
    scf.if %cond3A_78 {
      %get3A_79 = arith.constant 0 : index
      %get3A_80 = arith.constant 0 : index
      %get3A_81 = vector.load %arg9[%get3A_79, %get3A_80] : memref<16x128xf32, #tpu.memory_space<vmem>>, vector<16x128xf32>
      %get3A_82 = arith.constant 0 : index
      %get3A_83 = arith.constant 0 : index
      %get3A_84 = vector.load %arg6[%get3A_82, %get3A_83] : memref<128x128xf32, #tpu.memory_space<vmem>>, vector<128x128xf32>
      %dot_general3A_85 = arith.constant dense<0.000000e+00> : vector<16x128xf32>
      %dot_general3A_86 = tpu.matmul %get3A_81, %get3A_84, %dot_general3A_85 {dimension_numbers = #tpu.dot_dimension_numbers<[1], [0], [0], [1], [0, 0, 1, 1], [], []>, transpose_lhs_hint = false} : vector<16x128xf32>, vector<128x128xf32>, vector<16x128xf32> -> vector<16x128xf32>
      %get3A_87 = arith.constant 0 : index
      %get3A_88 = arith.constant 0 : index
      %get3A_89 = vector.load %arg10[%get3A_87, %get3A_88] : memref<16x128xf32, #tpu.memory_space<vmem>>, vector<16x128xf32>
      %slice3A = vector.extract_strided_slice %get3A_89 {offsets = [0, 0], sizes = [16, 1], strides = [1, 1]} : vector<16x128xf32> to vector<16x1xf32>
      %get3A_90 = arith.constant 0 : index
      %get3A_91 = arith.constant 0 : index
      %get3A_92 = vector.load %arg7[%get3A_90, %get3A_91] : memref<1x128xf32, #tpu.memory_space<vmem>>, vector<1x128xf32>
      %mul3A_93 = vector.broadcast %slice3A : vector<16x1xf32> to vector<16x128xf32>
      %mul3A_94 = vector.broadcast %get3A_92 : vector<1x128xf32> to vector<16x128xf32>
      %mul3A_95 = arith.mulf %mul3A_93, %mul3A_94 : vector<16x128xf32>
      %add3A_96 = arith.addf %dot_general3A_86, %mul3A_95 : vector<16x128xf32>
      %swap3A_97 = arith.constant 0 : index
      %swap3A_98 = arith.constant 0 : index
      %swap3A_99 = vector.load %arg8[%swap3A_97, %swap3A_98] : memref<16x128xf32, #tpu.memory_space<vmem>>, vector<16x128xf32>
      tpu.vector_store %arg8[%swap3A_97, %swap3A_98], %add3A_96 {strides = array<i32>} : memref<16x128xf32, #tpu.memory_space<vmem>>, vector<16x128xf32>,
    } else {
    }
    return
  }
  func.func @transform_0(%arg0: i32) -> (i32, i32, i32) {
    %c0_i32 = arith.constant 0 : i32
    %c0_i32_0 = arith.constant 0 : i32
    %c0_i32_1 = arith.constant 0 : i32
    return %c0_i32, %arg0, %c0_i32_0 : i32, i32, i32
  }
  func.func @transform_1(%arg0: i32) -> (i32, i32) {
    %c0_i32 = arith.constant 0 : i32
    %c0_i32_0 = arith.constant 0 : i32
    return %arg0, %c0_i32 : i32, i32
  }
  func.func @transform_2(%arg0: i32) -> (i32, i32) {
    %c0_i32 = arith.constant 0 : i32
    %c0_i32_0 = arith.constant 0 : i32
    return %arg0, %c0_i32 : i32, i32
  }
  func.func @transform_3(%arg0: i32) -> (i32, i32, i32) {
    %c0_i32 = arith.constant 0 : i32
    %c0_i32_0 = arith.constant 0 : i32
    %c0_i32_1 = arith.constant 0 : i32
    return %c0_i32, %arg0, %c0_i32_0 : i32, i32, i32
  }
  func.func @transform_4(%arg0: i32) -> (i32, i32, i32) {
    %c0_i32 = arith.constant 0 : i32
    %c0_i32_0 = arith.constant 0 : i32
    %c0_i32_1 = arith.constant 0 : i32
    return %arg0, %c0_i32, %c0_i32_0 : i32, i32, i32
  }
  func.func @transform_5(%arg0: i32) -> (i32, i32) {
    %c0_i32 = arith.constant 0 : i32
    %c0_i32_0 = arith.constant 0 : i32
    %c0_i32_1 = arith.constant 0 : i32
    return %c0_i32, %c0_i32_0 : i32, i32
  }
  func.func @transform_6(%arg0: i32) -> (i32, i32) {
    %c0_i32 = arith.constant 0 : i32
    %c0_i32_0 = arith.constant 0 : i32
    %c0_i32_1 = arith.constant 0 : i32
    return %c0_i32, %c0_i32_0 : i32, i32
  }
  func.func @transform_7(%arg0: i32) -> (i32, i32) {
    %c0_i32 = arith.constant 0 : i32
    %c0_i32_0 = arith.constant 0 : i32
    %c0_i32_1 = arith.constant 0 : i32
    return %c0_i32, %c0_i32_0 : i32, i32
  }
}

</mosaic_0001>

<sc_bundles>
// kernel: kernel.12.cloned.1.call-start
scs
__scs_entry_jumppad:
0x0: {  	(pc) =	sbr.rel $0x88, $3  }
0x1: {  	(tag) =	ssettag $0x0;
	lr =	simm.s32 $0x1  }
0x2: {  	[smem:$0x3F96] =	sst lr;
	_ =	strace $0xD0000000  }
0x3: {  	_ = 	snop  }
0x4: {  	_ = 	snop  }
0x5: {  	_ = 	snop  }
0x6: {  	_ = 	snop  }
0x7: {  	_ = 	snop  }
__scs_overlays_trampoline_lowered:
0x8: {  	[smem:$0x3FA5] =	sst s0  }
0x9: {  	[smem:$0x3FA6] =	sst s1  }
0xa: {  	[smem:$0x3FA7] =	sst s2  }
0xb: {  	[smem:$0x3FA8] =	sst s3  }
0xc: {  	[smem:$0x3FA9] =	sst s4  }
0xd: {  	[smem:$0x3FAA] =	sst s5  }
0xe: {  	[smem:$0x3FAB] =	sst s6  }
0xf: {  	[smem:$0x3FAC] =	sst s7  }
0x10: {  	[smem:$0x3FAD] =	sst s8  }
0x11: {  	[smem:$0x3FAE] =	sst s9;
	s0 =	simm.s32 @!p0 $0x0  }
0x12: {  	s1 =	sld [smem:$0x3F94];
	s0 =	simm.s32 @p0 $0x1  }
0x13: {  	[smem:$0x3FAF] =	sst s0;
	s0 =	simm.s32 @!p1 $0x0  }
0x14: {  	s2 =	sld [smem:$0x3F93];
	s0 =	simm.s32 @p1 $0x1  }
0x15: {  	[smem:$0x3FB0] =	sst s0;
	s0 =	simm.s32 @!p2 $0x0  }
0x16: {  	s3 =	sld [smem:$0x3FDB];
	s0 =	simm.s32 @p2 $0x1  }
0x17: {  	s4 =	simm.s32 $0x1BF5;
	[smem:$0x3FB2] =	sst s0  }
0x18: {  	s0 =	sld [smem:$0x3F95];
	_ =	swait.ge [sflag:s4], $0x0  }
0x19: {  	s7 =	sld [smem:$0x3F96]  }
0x1a: {  	s8 =	sadd.s32 $0xFFFFE003, lr  }
0x1b: {  	s9 =	sadd.s32 $0xFFFFFEF7, lr;
	s5 =	simm.s32 $0xFFFFFFFF;
	p2 =	slt.u32 s8, $0xFFFFF086  }
0x1c: {  	p1 =	slt.u32 s9, $0xF7A;
	s5 =	simm.s32 @!p2 $0x0  }
0x1d: {  	s5 =	simm.s32 @p1 $0x1;
	p0 =	seq.s32 s7, s2  }
0x1e: {  	s7 =	smul.u32 @!p0 $0xF7A, s2;
	p2 =	seq.s32 @!p0 s5, $0x0  }
0x1f: {  	s9 =	smul.u32 $0xF7A, s1;
	s8 =	simm.s32 @!p0 $0x1BF5;
	p2 =	por !p2, p0  }
0x20: {  	[sflag:s8] =	ssyncset.s32 @!p0 $0xFFFFF086;
	s6 =	sadd.s32 @!p0 s3, s7;
	s7 =	simm.s32 @!p0 $0x108  }
0x21: {  	s3 =	sadd.s32 s3, s9;
	s6 =	sadd.s32 @!p0 $0x88, s6;
	s7 =	simm.s32 @p2 $0x1082  }
0x22: {  	[simem:s7], [sflag:s8] =	dma.local @!p0 [hbm:s6], $0xF7A  }
0x23: {  	s9 =	sor.u32 $0xD0000000, s2;
	s6 =	simm.s32 $0x108;
	_ =	swait.ge @!p0 [sflag:s8], $0x0  }
0x24: {  	s3 =	sadd.s32 $0x88, s3;
	s6 =	simm.s32 @!p1 $0x1082;
	[sflag:s4] =	ssyncset.s32 $0xFFFFF086  }
0x25: {  	[simem:s6], [sflag:s4] =	dma.local [hbm:s3], $0xF7A  }
0x26: {  	[smem:$0x3F96] =	sst s1;
	(tag) =	ssettag s2;
	_ =	strace s9  }
0x27: {  	s1 =	sld [smem:$0x3FA6]  }
0x28: {  	s2 =	sld [smem:$0x3FA7]  }
0x29: {  	s4 =	sld [smem:$0x3FA9]  }
0x2a: {  	p0 =	seq.s32 s5, $0x0;
	s5 =	sld [smem:$0x3FAA]  }
0x2b: {  	s6 =	sld [smem:$0x3FAB]  }
0x2c: {  	s7 =	sld [smem:$0x3FAC]  }
0x2d: {  	s3 =	simm.s32 $0x108;
	s8 =	sld [smem:$0x3FAD]  }
0x2e: {  	s3 =	simm.s32 @!p0 $0x1082;
	s9 =	sld [smem:$0x3FAE]  }
0x2f: {  	lr =	sadd.s32 s0, s3;
	s0 =	sld [smem:$0x3FA5]  }
0x30: {  	s3 =	sld [smem:$0x3FA8]  }
0x31: {  	[smem:$0x3FB1] =	sst s10  }
0x32: {  	s10 =	sld [smem:$0x3FAF];
	_ =	sdelay $0x3  }
0x33: {  	p0 =	seq.s32 s10, $0x1;
	s10 =	sld [smem:$0x3FB1];
	_ =	sdelay $0x3  }
0x34: {  	[smem:$0x3FB1] =	sst s10  }
0x35: {  	s10 =	sld [smem:$0x3FB0];
	_ =	sdelay $0x3  }
0x36: {  	p1 =	seq.s32 s10, $0x1;
	s10 =	sld [smem:$0x3FB1];
	_ =	sdelay $0x3  }
0x37: {  	[smem:$0x3FB1] =	sst s10  }
0x38: {  	s10 =	sld [smem:$0x3FB2]  }
0x39: {  	_ = 	snop;
	(pc) =	sbr.ind lr, $3  }
0x3a: {  	_ = 	snop  }
0x3b: {  	_ = 	snop  }
0x3c: {  	p2 =	seq.s32 s10, $0x1;
	s10 =	sld [smem:$0x3FB1]  }
0x3d: {  	_ =	shalt  }
0x3e: {  	_ =	shalt  }
0x3f: {  	_ =	shalt  }
0x40: {  	_ =	shalt  }
0x41: {  	_ =	shalt  }
0x42: {  	_ =	shalt  }
0x43: {  	_ =	shalt  }
0x44: {  	_ =	shalt  }
0x45: {  	_ =	shalt  }
0x46: {  	_ =	shalt  }
0x47: {  	_ =	shalt  }
0x48: {  	_ =	shalt  }
0x49: {  	_ =	shalt  }
0x4a: {  	_ =	shalt  }
0x4b: {  	_ =	shalt  }
0x4c: {  	_ =	shalt  }
0x4d: {  	_ =	shalt  }
0x4e: {  	_ =	shalt  }
0x4f: {  	_ =	shalt  }
0x50: {  	_ =	shalt  }
0x51: {  	_ =	shalt  }
0x52: {  	_ =	shalt  }
0x53: {  	_ =	shalt  }
0x54: {  	_ =	shalt  }
0x55: {  	_ =	shalt  }
0x56: {  	_ =	shalt  }
0x57: {  	_ =	shalt  }
0x58: {  	_ =	shalt  }
0x59: {  	_ =	shalt  }
0x5a: {  	_ =	shalt  }
0x5b: {  	_ =	shalt  }
0x5c: {  	_ =	shalt  }
0x5d: {  	_ =	shalt  }
0x5e: {  	_ =	shalt  }
0x5f: {  	_ =	shalt  }
0x60: {  	_ =	shalt  }
0x61: {  	_ =	shalt  }
0x62: {  	_ =	shalt  }
0x63: {  	_ =	shalt  }
0x64: {  	_ =	shalt  }
0x65: {  	_ =	shalt  }
0x66: {  	_ =	shalt  }
0x67: {  	_ =	shalt  }
0x68: {  	_ =	shalt  }
0x69: {  	_ =	shalt  }
0x6a: {  	_ =	shalt  }
0x6b: {  	_ =	shalt  }
0x6c: {  	_ =	shalt  }
0x6d: {  	_ =	shalt  }
0x6e: {  	_ =	shalt  }
0x6f: {  	_ =	shalt  }
0x70: {  	_ =	shalt  }
0x71: {  	_ =	shalt  }
0x72: {  	_ =	shalt  }
0x73: {  	_ =	shalt  }
0x74: {  	_ =	shalt  }
0x75: {  	_ =	shalt  }
0x76: {  	_ =	shalt  }
0x77: {  	_ =	shalt  }
0x78: {  	_ =	shalt  }
0x79: {  	_ =	shalt  }
0x7a: {  	_ =	shalt  }
0x7b: {  	_ =	shalt  }
0x7c: {  	_ =	shalt  }
0x7d: {  	_ =	shalt  }
0x7e: {  	_ =	shalt  }
0x7f: {  	_ =	shalt  }
0x80: {  	_ =	shalt  }
0x81: {  	_ =	shalt  }
0x82: {  	_ =	shalt  }
0x83: {  	_ =	shalt  }
0x84: {  	_ =	shalt  }
0x85: {  	_ =	shalt  }
0x86: {  	_ =	shalt  }
0x87: {  	_ =	shalt  }
.Lfunc_end0:
.L_simem_size_0:
called_computation_lowered:
.L_overlay_start_0:
0x88: {  	s2 =	sld [smem:$0x3FD9]  }
0x89: {  	s3 =	sld [smem:$0x3FFE];
	_ =	sdelay $0x1  }
0x8a: {  	s1 =	srdreg.scid  }
0x8b: {  	s0 =	sand.u32 $0x1, s1  }
0x8c: {  	s16 =	sshll.u32 s0, $0xA;
	s2 =	sadd.s32 s3, s2  }
0x8d: {  	s2 =	sadd.s32 s2, s16  }
0x8e: {  	[smem:$0x3FBD] =	sst s2  }
0x8f: {  	_ = 	snop  }
0x90: {  	(tm) =	ssettm $0x1  }
0x91: {  	s17 =	sld [smem:$0x3FFB];
	_ =	sdelay $0x3  }
0x92: {  	_ =	strace s17  }
0x93: {  	s2 =	sld [smem:$0x3FFC];
	_ =	sdelay $0x3  }
0x94: {  	_ =	strace s2  }
0x95: {  	s2 =	sld [smem:$0x3FFD];
	_ =	sdelay $0x3  }
0x96: {  	_ =	strace s2  }
0x97: {  	_ =	strace $0x8FFFFFFF  }
0x98: {  	s18 =	sld [smem:$0x3FDB];
	_ =	sdelay $0x1  }
0x99: {  	s19 =	simm.s32 $_scs_section_size  }
0x9a: {  	s4 =	simm.s32 $_size__tile_overlayer_lowered;
	s5 =	simm.s32 $_tile_overlayer_lowered  }
0x9b: {  	s22 =	simm.s32 $0x1BFF;
	s21 =	sshll.u32 s5, $0x1;
	s2 =	sadd.s32 s19, s18  }
0x9c: {  	s6 =	simm.s32 $0x0;
	s20 =	sshll.u32 s4, $0x1;
	s4 =	sadd.s32 s21, s2  }
0x9d: {  	[timem:s6], [sflag:s22] =	dma.local [hbm:s4], s20  }
0x9e: {  	_ =	swait.ge [sflag:s22], s20  }
0x9f: {  	s3 =	ssub.s32 $0x0, s20;
	[sflag:s22] =	ssyncset.done $0x0  }
0xa0: {  	[sflag:s22] =	ssyncadd.s32 s3;
	_ =	sdelay $0x1  }
0xa1: {  	s23 =	simm.s32 $0x1B8B  }
0xa2: {  	_ =	swait.ge [sflag:s23], $0x1  }
0xa3: {  	[sflag:s23] =	ssyncset.done $0x0  }
0xa4: {  	s25 =	simm.s32 $0x1B8E;
	s24 =	sld [smem:$0x3FFE];
	[sflag:s23] =	ssyncadd.s32 $0xFFFFFFFF  }
0xa5: {  	s26 =	simm.s32 $execute0_lowered;
	[smem:$0x3FD2] =	sst s25  }
0xa6: {  	s4 =	sshll.u32 s26, $0x1;
	_ =	strace $0x80000046;
	[dreg:$0x1] =	wrdreg $0xFFFFFFFF  }
0xa7: {  	s28 =	simm.s32 $_size_execute0_lowered;
	s2 =	sadd.s32 s2, s4;
	[dreg:$0x0] =	wrdreg $0x0  }
0xa8: {  	s4 =	sshll.u32 s28, $0x1;
	[dreg:$0x2] =	wrdreg s2  }
0xa9: {  	[dreg:$0x3] =	wrdreg s4  }
0xaa: {  	[dreg:$0x4] =	wrdreg $0xC0  }
0xab: {  	_ =	task [dreg:s6], $0x5FFFF  }
0xac: {  	[dreg:$0x1] =	wrdreg $0xFFFFFFFF  }
0xad: {  	[dreg:$0x0] =	wrdreg $0x60  }
0xae: {  	[dreg:$0x2] =	wrdreg s24  }
0xaf: {  	[dreg:$0x3] =	wrdreg $0x40800  }
0xb0: {  	[dreg:$0x4] =	wrdreg $0x9  }
0xb1: {  	_ =	task.clear_ibuf [dreg:s6], $0x5FFFF;
	_ =	strace $0x90000046  }
0xb2: {  	s29 =	simm.s32 $0x9;
	_ =	strace $0x80000048  }
0xb3: {  	_ =	swait.ge [sflag:s29], $0x1  }
0xb4: {  	[sflag:s29] =	ssyncadd.s32 $0xFFFFFFFF  }
0xb5: {  	_ =	strace $0x90000048  }
0xb6: {  	_ =	sfence  }
0xb7: {  	s30 =	sld [smem:$0x0];
	_ =	sdelay $0x2  }
0xb8: {  	s31 =	sshll.u32 s1, $0xD;
	s1 =	sshrl.u32 s1, $0x2  }
0xb9: {  	s3 =	sand.u32 $0x4000, s31;
	s1 =	sadd.s32 s1, s30  }
0xba: {  	s0 =	sor.u32 s3, s0;
	s1 =	sshll.u32 s1, $0x11  }
0xbb: {  	s0 =	sor.u32 s1, s0  }
0xbc: {  	s0 =	sadd.s32 $0x8F2B, s0  }
0xbd: {  	[sflag:s0] =	ssyncadd.remote.s32 $0x1  }
0xbe: {  	_ =	sfence.sel $0xFFFF  }
0xbf: {  	[dreg:$0x0] =	wrdreg $0xFFFFFFFF;
	(pc) =	sbr.abs _section_cstart, $3  }
0xc0: {  	[dreg:$0x1] =	wrdreg $0xFFFFFFFF  }
0xc1: {  	_ =	task.clear_ibuf [dreg:s6], $0x2FFFF;
	_ =	strace $0x9FFFFFFF  }
0xc2: {  	(tm) =	ssettm $0x7FFFFFFF  }
0xc3: {  	_ =	shalt  }
tec
execute0_lowered:
.L_overlay_start_1:
0x0: {  	(tag) =	ssettag $0x1  }
0x1: {  	s0 =	srdreg.scid  }
0x2: {  	s6 =	rddreg [dreg:$0x0];
	s1 =	stileid.u32  }
0x3: {  	s2 =	rddreg [dreg:$0x1];
	s8 =	smul.u32 $0x14000, s1  }
0x4: {  	s3 =	simm.s32 $0x0;
	s13 =	simm.s32 $0x0;
	s10 =	smul.u32 $0x50000, s1  }
0x5: {  	s7 =	sand.u32 $0x1, s0;
	s0 =	rddreg [dreg:$0x2];
	s11 =	smul.u32 $0x4F0, s1  }
0x6: {  	[smem:$0x7FF] =	sst s3;
	s31 =	sshll.u32 s1, $0x6;
	s4 =	smul.u32 $0x4F00, s7  }
0x7: {  	s5 =	smul.u32 $0x140000, s7;
	_ =	strace $0x80000047;
	s30 =	ssub.s32 $0x2, s7  }
0x8: {  	s7 =	sshrl.u32 s30, $0x1;
	s10 =	sshrl.u32 s10, $0x2;
	s9 =	sadd.s32 s4, s6  }
0x9: {  	s5 =	sadd.s32 s8, s5;
	s4 =	sadd.s32 $0xFE00, s6;
	s12 =	ssub.s32 s30, s7  }
0xa: {  	s10 =	sadd.s32 s10, s2;
	s8 =	sshrl.u32 s5, $0x3;
	s5 =	sadd.s32 $0xD600, s6  }
0xb: {  	s9 =	sadd.s32 s11, s9;
	s10 =	sshrl.u32 s10, $0x3;
	s11 =	simm.s32 $0x1  }
0xc: {  	s8 =	sadd.s32 s8, s6;
	s6 =	sor.u32 $0x1C01, s31;
	s9 =	sadd.s32 $0x3800, s9  }
0xd: {  	s7 =	sadd.s32 $0x10600, s8;
	s8 =	smax.u32 s12, $0x1;
	s12 =	simm.s32 $0x80  }
.LBB2_1:
0xe: {  	[spmem:s10], [sflag:s6] =	dma.local [hbm:s5], $0x2800  }
0xf: {  	_ =	swait.ge [sflag:s11], $0x2800  }
0x10: {  	[sflag:s11] =	ssyncset.done $0x0  }
0x11: {  	[sflag:s11] =	ssyncadd.s32 $0xFFFFD800  }
0x12: {  	[tilespmem:s12], [sflag:$0x1] =	stream.linear.gather [hbm4b:s4+s3], $0x4000, $0x38;
	[tilespmem:$0x18080] =	vst v63  }
0x13: {  	_ =	swait.ge [sflag:s11], $0x4000  }
0x14: {  	[sflag:s11] =	ssyncset.done $0x0  }
0x15: {  	[sflag:s11] =	ssyncadd.s32 $0xFFFFC000  }
0x16: {  	s14 =	sadd.s32 $0x0, s9;
	[bflag:$0x0] =	sbarrier.arrive $0xFFFF  }
0x17: {  	[tilespmem:s3], [sflag:$0x1] =	stream.linear.gather [hbm4b:s14+s3], $0x80, $0x38;
	[tilespmem:$0x18080] =	vst v63  }
0x18: {  	_ =	swait.ge [sflag:s11], $0x80  }
0x19: {  	[sflag:s11] =	ssyncset.done $0x0  }
0x1a: {  	[sflag:s11] =	ssyncadd.s32 $0xFFFFFF80  }
0x1b: {  	[spmem:s2] =	stream.indirect.scatter.add.f32 [tilespmem:s12], [sflag:$0x1], $0x80, s3, s12, $0xb8;
	[tilespmem:$0x18080] =	vst v63  }
0x1c: {  	_ =	swait.ge [sflag:s11], $0x4000  }
0x1d: {  	s15 =	simm.s32 $0x20;
	s14 =	simm.s32 $0x10;
	[sflag:s11] =	ssyncset.done $0x0  }
.LBB2_2:
0x1e: {  	s16 =	sadd.s32 s14, s9  }
0x1f: {  	[sflag:s11] =	ssyncadd.s32 $0xFFFFC000;
	s14 =	smov.u32 s15;
	s17 =	sadd.s32 $0x10, s15  }
0x20: {  	[tilespmem:s3], [sflag:$0x1] =	stream.linear.gather [hbm4b:s16+s3], $0x80, $0x38;
	[tilespmem:$0x18080] =	vst v63  }
0x21: {  	p0 =	sne.s32 s15, $0x4E0;
	_ =	swait.ge [sflag:s11], $0x80  }
.Ltmp0:
0x22: {  	[sflag:s11] =	ssyncset.done $0x0;
	(pc) =	sbr.rel @p0 .LBB2_2-.Ltmp0, $4  }
0x23: {  	[sflag:s11] =	ssyncadd.s32 $0xFFFFFF80  }
0x24: {  	[spmem:s2] =	stream.indirect.scatter.add.f32 [tilespmem:s12], [sflag:$0x1], $0x80, s3, s12, $0xb8;
	[tilespmem:$0x18080] =	vst v63  }
0x25: {  	_ =	swait.ge [sflag:s11], $0x4000  }
0x26: {  	s15 =	smov.u32 s17;
	[sflag:s11] =	ssyncset.done $0x0  }
0x27: {  	s14 =	sadd.s32 s14, s9;
	[sflag:s11] =	ssyncadd.s32 $0xFFFFC000  }
0x28: {  	[tilespmem:s3], [sflag:$0x1] =	stream.linear.gather [hbm4b:s14+s3], $0x80, $0x38;
	[tilespmem:$0x18080] =	vst v63  }
0x29: {  	_ =	swait.ge [sflag:s11], $0x80  }
0x2a: {  	[sflag:s11] =	ssyncset.done $0x0  }
0x2b: {  	[sflag:s11] =	ssyncadd.s32 $0xFFFFFF80  }
0x2c: {  	[spmem:s2] =	stream.indirect.scatter.add.f32 [tilespmem:s12], [sflag:$0x1], $0x80, s3, s12, $0xb8;
	[tilespmem:$0x18080] =	vst v63  }
0x2d: {  	_ =	swait.ge [sflag:s11], $0x4000  }
0x2e: {  	s13 =	sadd.s32 $0x1, s13;
	[sflag:s11] =	ssyncset.done $0x0  }
0x2f: {  	p0 =	sne.s32 s13, s8;
	[sflag:s11] =	ssyncadd.s32 $0xFFFFC000  }
.Ltmp1:
0x30: {  	[bflag:$0x0] =	sbarrier.arrive $0xFFFF;
	(pc) =	sbr.rel @p0 .LBB2_1-.Ltmp1, $4  }
0x31: {  	[hbm:s7], [sflag:s6] =	dma.local [spmem:s10], $0x2800  }
0x32: {  	_ =	swait.ge [sflag:s11], $0x2800  }
0x33: {  	[sflag:s11] =	ssyncset.done $0x0  }
0x34: {  	[sflag:s11] =	ssyncadd.s32 $0xFFFFD800  }
0x35: {  	_ =	sfence.sel $0x180000  }
0x36: {  	[bflag:$0x0] =	sbarrier.arrive $0xFFFF  }
0x37: {  	p0 =	sne.s32 s1, $0x0;
	_ =	strace $0x90000047  }
0x38: {  	s0 =	sadd.s32 @!p0 $0x100000, s0;
	[bflag:$0x2] =	sbarrier.arrive $0xFFFF  }
0x39: {  	[sflag:s0] =	ssyncadd.tile.s32 @!p0 $0x1;
	_ =	shalt  }
.Lfunc_end2:
_tile_overlayer_lowered:
.L_overlay_start_2:
0x3a: {  	(tag) =	ssettag $0x2  }
0x3b: {  	s0 =	rddreg [dreg:$0x0];
	s2 =	stileid.u32  }
0x3c: {  	s1 =	rddreg [dreg:$0x1];
	p0 =	sne.s32 s2, $0x0  }
0x3d: {  	s3 =	rddreg [dreg:$0x2];
	[bflag:$0x3] =	sbarrier.arrive $0xFFFF;
	s2 =	simm.s32 @!p0 $0x1C01  }
0x3e: {  	[timem:s3], [sflag:s2] =	dma.local @!p0 [hbm:s0], s1  }
0x3f: {  	s0 =	simm.s32 @!p0 $0x1  }
0x40: {  	_ =	swait.ge @!p0 [sflag:s0], s1  }
0x41: {  	s1 =	ssub.s32 @!p0 $0x0, s1;
	[sflag:s0] =	ssyncset.done @!p0 $0x0  }
0x42: {  	[sflag:s0] =	ssyncadd.s32 @!p0 s1  }
0x43: {  	[bflag:$0x3] =	sbarrier.arrive $0xFFFF  }
0x44: {  	_ =	shalt  }

// kernel: kernel.15.cloned.1.call-start
scs
__scs_entry_jumppad:
0x0: {  	(pc) =	sbr.rel $0x88, $3  }
0x1: {  	(tag) =	ssettag $0x0;
	lr =	simm.s32 $0x1  }
0x2: {  	[smem:$0x3F96] =	sst lr;
	_ =	strace $0xD0000000  }
0x3: {  	_ = 	snop  }
0x4: {  	_ = 	snop  }
0x5: {  	_ = 	snop  }
0x6: {  	_ = 	snop  }
0x7: {  	_ = 	snop  }
__scs_overlays_trampoline_lowered:
0x8: {  	[smem:$0x3FA5] =	sst s0  }
0x9: {  	[smem:$0x3FA6] =	sst s1  }
0xa: {  	[smem:$0x3FA7] =	sst s2  }
0xb: {  	[smem:$0x3FA8] =	sst s3  }
0xc: {  	[smem:$0x3FA9] =	sst s4  }
0xd: {  	[smem:$0x3FAA] =	sst s5  }
0xe: {  	[smem:$0x3FAB] =	sst s6  }
0xf: {  	[smem:$0x3FAC] =	sst s7  }
0x10: {  	[smem:$0x3FAD] =	sst s8  }
0x11: {  	[smem:$0x3FAE] =	sst s9;
	s0 =	simm.s32 @!p0 $0x0  }
0x12: {  	s1 =	sld [smem:$0x3F94];
	s0 =	simm.s32 @p0 $0x1  }
0x13: {  	[smem:$0x3FAF] =	sst s0;
	s0 =	simm.s32 @!p1 $0x0  }
0x14: {  	s2 =	sld [smem:$0x3F93];
	s0 =	simm.s32 @p1 $0x1  }
0x15: {  	[smem:$0x3FB0] =	sst s0;
	s0 =	simm.s32 @!p2 $0x0  }
0x16: {  	s3 =	sld [smem:$0x3FDB];
	s0 =	simm.s32 @p2 $0x1  }
0x17: {  	s4 =	simm.s32 $0x1BF5;
	[smem:$0x3FB2] =	sst s0  }
0x18: {  	s0 =	sld [smem:$0x3F95];
	_ =	swait.ge [sflag:s4], $0x0  }
0x19: {  	s7 =	sld [smem:$0x3F96]  }
0x1a: {  	s8 =	sadd.s32 $0xFFFFE003, lr  }
0x1b: {  	s9 =	sadd.s32 $0xFFFFFEF7, lr;
	s5 =	simm.s32 $0xFFFFFFFF;
	p2 =	slt.u32 s8, $0xFFFFF086  }
0x1c: {  	p1 =	slt.u32 s9, $0xF7A;
	s5 =	simm.s32 @!p2 $0x0  }
0x1d: {  	s5 =	simm.s32 @p1 $0x1;
	p0 =	seq.s32 s7, s2  }
0x1e: {  	s7 =	smul.u32 @!p0 $0xF7A, s2;
	p2 =	seq.s32 @!p0 s5, $0x0  }
0x1f: {  	s9 =	smul.u32 $0xF7A, s1;
	s8 =	simm.s32 @!p0 $0x1BF5;
	p2 =	por !p2, p0  }
0x20: {  	[sflag:s8] =	ssyncset.s32 @!p0 $0xFFFFF086;
	s6 =	sadd.s32 @!p0 s3, s7;
	s7 =	simm.s32 @!p0 $0x108  }
0x21: {  	s3 =	sadd.s32 s3, s9;
	s6 =	sadd.s32 @!p0 $0x88, s6;
	s7 =	simm.s32 @p2 $0x1082  }
0x22: {  	[simem:s7], [sflag:s8] =	dma.local @!p0 [hbm:s6], $0xF7A  }
0x23: {  	s9 =	sor.u32 $0xD0000000, s2;
	s6 =	simm.s32 $0x108;
	_ =	swait.ge @!p0 [sflag:s8], $0x0  }
0x24: {  	s3 =	sadd.s32 $0x88, s3;
	s6 =	simm.s32 @!p1 $0x1082;
	[sflag:s4] =	ssyncset.s32 $0xFFFFF086  }
0x25: {  	[simem:s6], [sflag:s4] =	dma.local [hbm:s3], $0xF7A  }
0x26: {  	[smem:$0x3F96] =	sst s1;
	(tag) =	ssettag s2;
	_ =	strace s9  }
0x27: {  	s1 =	sld [smem:$0x3FA6]  }
0x28: {  	s2 =	sld [smem:$0x3FA7]  }
0x29: {  	s4 =	sld [smem:$0x3FA9]  }
0x2a: {  	p0 =	seq.s32 s5, $0x0;
	s5 =	sld [smem:$0x3FAA]  }
0x2b: {  	s6 =	sld [smem:$0x3FAB]  }
0x2c: {  	s7 =	sld [smem:$0x3FAC]  }
0x2d: {  	s3 =	simm.s32 $0x108;
	s8 =	sld [smem:$0x3FAD]  }
0x2e: {  	s3 =	simm.s32 @!p0 $0x1082;
	s9 =	sld [smem:$0x3FAE]  }
0x2f: {  	lr =	sadd.s32 s0, s3;
	s0 =	sld [smem:$0x3FA5]  }
0x30: {  	s3 =	sld [smem:$0x3FA8]  }
0x31: {  	[smem:$0x3FB1] =	sst s10  }
0x32: {  	s10 =	sld [smem:$0x3FAF];
	_ =	sdelay $0x3  }
0x33: {  	p0 =	seq.s32 s10, $0x1;
	s10 =	sld [smem:$0x3FB1];
	_ =	sdelay $0x3  }
0x34: {  	[smem:$0x3FB1] =	sst s10  }
0x35: {  	s10 =	sld [smem:$0x3FB0];
	_ =	sdelay $0x3  }
0x36: {  	p1 =	seq.s32 s10, $0x1;
	s10 =	sld [smem:$0x3FB1];
	_ =	sdelay $0x3  }
0x37: {  	[smem:$0x3FB1] =	sst s10  }
0x38: {  	s10 =	sld [smem:$0x3FB2]  }
0x39: {  	_ = 	snop;
	(pc) =	sbr.ind lr, $3  }
0x3a: {  	_ = 	snop  }
0x3b: {  	_ = 	snop  }
0x3c: {  	p2 =	seq.s32 s10, $0x1;
	s10 =	sld [smem:$0x3FB1]  }
0x3d: {  	_ =	shalt  }
0x3e: {  	_ =	shalt  }
0x3f: {  	_ =	shalt  }
0x40: {  	_ =	shalt  }
0x41: {  	_ =	shalt  }
0x42: {  	_ =	shalt  }
0x43: {  	_ =	shalt  }
0x44: {  	_ =	shalt  }
0x45: {  	_ =	shalt  }
0x46: {  	_ =	shalt  }
0x47: {  	_ =	shalt  }
0x48: {  	_ =	shalt  }
0x49: {  	_ =	shalt  }
0x4a: {  	_ =	shalt  }
0x4b: {  	_ =	shalt  }
0x4c: {  	_ =	shalt  }
0x4d: {  	_ =	shalt  }
0x4e: {  	_ =	shalt  }
0x4f: {  	_ =	shalt  }
0x50: {  	_ =	shalt  }
0x51: {  	_ =	shalt  }
0x52: {  	_ =	shalt  }
0x53: {  	_ =	shalt  }
0x54: {  	_ =	shalt  }
0x55: {  	_ =	shalt  }
0x56: {  	_ =	shalt  }
0x57: {  	_ =	shalt  }
0x58: {  	_ =	shalt  }
0x59: {  	_ =	shalt  }
0x5a: {  	_ =	shalt  }
0x5b: {  	_ =	shalt  }
0x5c: {  	_ =	shalt  }
0x5d: {  	_ =	shalt  }
0x5e: {  	_ =	shalt  }
0x5f: {  	_ =	shalt  }
0x60: {  	_ =	shalt  }
0x61: {  	_ =	shalt  }
0x62: {  	_ =	shalt  }
0x63: {  	_ =	shalt  }
0x64: {  	_ =	shalt  }
0x65: {  	_ =	shalt  }
0x66: {  	_ =	shalt  }
0x67: {  	_ =	shalt  }
0x68: {  	_ =	shalt  }
0x69: {  	_ =	shalt  }
0x6a: {  	_ =	shalt  }
0x6b: {  	_ =	shalt  }
0x6c: {  	_ =	shalt  }
0x6d: {  	_ =	shalt  }
0x6e: {  	_ =	shalt  }
0x6f: {  	_ =	shalt  }
0x70: {  	_ =	shalt  }
0x71: {  	_ =	shalt  }
0x72: {  	_ =	shalt  }
0x73: {  	_ =	shalt  }
0x74: {  	_ =	shalt  }
0x75: {  	_ =	shalt  }
0x76: {  	_ =	shalt  }
0x77: {  	_ =	shalt  }
0x78: {  	_ =	shalt  }
0x79: {  	_ =	shalt  }
0x7a: {  	_ =	shalt  }
0x7b: {  	_ =	shalt  }
0x7c: {  	_ =	shalt  }
0x7d: {  	_ =	shalt  }
0x7e: {  	_ =	shalt  }
0x7f: {  	_ =	shalt  }
0x80: {  	_ =	shalt  }
0x81: {  	_ =	shalt  }
0x82: {  	_ =	shalt  }
0x83: {  	_ =	shalt  }
0x84: {  	_ =	shalt  }
0x85: {  	_ =	shalt  }
0x86: {  	_ =	shalt  }
0x87: {  	_ =	shalt  }
.Lfunc_end0:
.L_simem_size_0:
called_computation.1_lowered:
.L_overlay_start_0:
0x88: {  	s2 =	sld [smem:$0x3FD9]  }
0x89: {  	s3 =	sld [smem:$0x3FFE];
	_ =	sdelay $0x1  }
0x8a: {  	s1 =	srdreg.scid  }
0x8b: {  	s0 =	sand.u32 $0x1, s1  }
0x8c: {  	s16 =	sshll.u32 s0, $0xA;
	s2 =	sadd.s32 s3, s2  }
0x8d: {  	s2 =	sadd.s32 s2, s16  }
0x8e: {  	[smem:$0x3FBD] =	sst s2  }
0x8f: {  	_ = 	snop  }
0x90: {  	(tm) =	ssettm $0x1  }
0x91: {  	s17 =	sld [smem:$0x3FFB];
	_ =	sdelay $0x3  }
0x92: {  	_ =	strace s17  }
0x93: {  	s2 =	sld [smem:$0x3FFC];
	_ =	sdelay $0x3  }
0x94: {  	_ =	strace s2  }
0x95: {  	s2 =	sld [smem:$0x3FFD];
	_ =	sdelay $0x3  }
0x96: {  	_ =	strace s2  }
0x97: {  	_ =	strace $0x8FFFFFFF  }
0x98: {  	s18 =	sld [smem:$0x3FDB];
	_ =	sdelay $0x1  }
0x99: {  	s19 =	simm.s32 $_scs_section_size  }
0x9a: {  	s4 =	simm.s32 $_size__tile_overlayer_lowered;
	s5 =	simm.s32 $_tile_overlayer_lowered  }
0x9b: {  	s22 =	simm.s32 $0x1BFF;
	s21 =	sshll.u32 s5, $0x1;
	s2 =	sadd.s32 s19, s18  }
0x9c: {  	s6 =	simm.s32 $0x0;
	s20 =	sshll.u32 s4, $0x1;
	s4 =	sadd.s32 s21, s2  }
0x9d: {  	[timem:s6], [sflag:s22] =	dma.local [hbm:s4], s20  }
0x9e: {  	_ =	swait.ge [sflag:s22], s20  }
0x9f: {  	s3 =	ssub.s32 $0x0, s20;
	[sflag:s22] =	ssyncset.done $0x0  }
0xa0: {  	[sflag:s22] =	ssyncadd.s32 s3;
	_ =	sdelay $0x1  }
0xa1: {  	s23 =	simm.s32 $0x1B8B  }
0xa2: {  	_ =	swait.ge [sflag:s23], $0x1  }
0xa3: {  	[sflag:s23] =	ssyncset.done $0x0  }
0xa4: {  	s25 =	simm.s32 $0x1B8E;
	s24 =	sld [smem:$0x3FFE];
	[sflag:s23] =	ssyncadd.s32 $0xFFFFFFFF  }
0xa5: {  	s26 =	simm.s32 $execute0_lowered;
	[smem:$0x3FD2] =	sst s25  }
0xa6: {  	s4 =	sshll.u32 s26, $0x1;
	_ =	strace $0x80000049;
	[dreg:$0x1] =	wrdreg $0xFFFFFFFF  }
0xa7: {  	s28 =	simm.s32 $_size_execute0_lowered;
	s2 =	sadd.s32 s2, s4;
	[dreg:$0x0] =	wrdreg $0x0  }
0xa8: {  	s4 =	sshll.u32 s28, $0x1;
	[dreg:$0x2] =	wrdreg s2  }
0xa9: {  	[dreg:$0x3] =	wrdreg s4  }
0xaa: {  	[dreg:$0x4] =	wrdreg $0xC0  }
0xab: {  	_ =	task [dreg:s6], $0x5FFFF  }
0xac: {  	[dreg:$0x1] =	wrdreg $0xFFFFFFFF  }
0xad: {  	[dreg:$0x0] =	wrdreg $0x60  }
0xae: {  	[dreg:$0x2] =	wrdreg s24  }
0xaf: {  	[dreg:$0x3] =	wrdreg $0x41000  }
0xb0: {  	[dreg:$0x4] =	wrdreg $0x9  }
0xb1: {  	_ =	task.clear_ibuf [dreg:s6], $0x5FFFF;
	_ =	strace $0x90000049  }
0xb2: {  	s29 =	simm.s32 $0x9;
	_ =	strace $0x8000004B  }
0xb3: {  	_ =	swait.ge [sflag:s29], $0x1  }
0xb4: {  	[sflag:s29] =	ssyncadd.s32 $0xFFFFFFFF  }
0xb5: {  	_ =	strace $0x9000004B  }
0xb6: {  	_ =	sfence  }
0xb7: {  	s30 =	sld [smem:$0x0];
	_ =	sdelay $0x2  }
0xb8: {  	s31 =	sshll.u32 s1, $0xD;
	s1 =	sshrl.u32 s1, $0x2  }
0xb9: {  	s3 =	sand.u32 $0x4000, s31;
	s1 =	sadd.s32 s1, s30  }
0xba: {  	s0 =	sor.u32 s3, s0;
	s1 =	sshll.u32 s1, $0x11  }
0xbb: {  	s0 =	sor.u32 s1, s0  }
0xbc: {  	s0 =	sadd.s32 $0x8F2B, s0  }
0xbd: {  	[sflag:s0] =	ssyncadd.remote.s32 $0x1  }
0xbe: {  	_ =	sfence.sel $0xFFFF  }
0xbf: {  	[dreg:$0x0] =	wrdreg $0xFFFFFFFF;
	(pc) =	sbr.abs _section_cstart, $3  }
0xc0: {  	[dreg:$0x1] =	wrdreg $0xFFFFFFFF  }
0xc1: {  	_ =	task.clear_ibuf [dreg:s6], $0x2FFFF;
	_ =	strace $0x9FFFFFFF  }
0xc2: {  	(tm) =	ssettm $0x7FFFFFFF  }
0xc3: {  	_ =	shalt  }
tec
execute0_lowered:
.L_overlay_start_1:
0x0: {  	(tag) =	ssettag $0x1  }
0x1: {  	s6 =	rddreg [dreg:$0x0];
	s0 =	srdreg.scid  }
0x2: {  	s2 =	rddreg [dreg:$0x1];
	s1 =	stileid.u32;
	s3 =	simm.s32 $0x0  }
0x3: {  	s14 =	simm.s32 $0x100;
	s15 =	simm.s32 $0x1;
	s8 =	smul.u32 $0x14000, s1  }
0x4: {  	s7 =	sand.u32 $0x1, s0;
	s0 =	rddreg [dreg:$0x2];
	s10 =	smul.u32 $0x50000, s1  }
0x5: {  	s16 =	simm.s32 $0x0;
	[smem:$0x7FF] =	sst s3;
	s11 =	smul.u32 $0x4F0, s1  }
0x6: {  	s4 =	sadd.s32 $0x6A400, s6;
	s30 =	sshll.u32 s1, $0x6;
	s5 =	smul.u32 $0x140000, s7  }
0x7: {  	s9 =	smul.u32 $0x4F00, s7;
	_ =	strace $0x8000004A;
	s29 =	ssub.s32 $0x2, s7  }
0x8: {  	s7 =	sshrl.u32 s29, $0x1;
	s10 =	sshrl.u32 s10, $0x2;
	s5 =	sadd.s32 s8, s5  }
0x9: {  	s26 =	sadd.s32 s9, s6;
	s12 =	ssub.s32 s29, s7;
	s13 =	sadd.s32 s10, s2  }
0xa: {  	s28 =	sshrl.u32 s5, $0x3;
	s5 =	sadd.s32 $0xD600, s6;
	s31 =	sadd.s32 s11, s26  }
0xb: {  	s8 =	smax.u32 s12, $0x1;
	s11 =	sshrl.u32 s13, $0x3;
	s12 =	simm.s32 $0x2  }
0xc: {  	s13 =	simm.s32 $0x80;
	s9 =	sadd.s32 s28, s6;
	s6 =	sor.u32 $0x1C02, s30  }
0xd: {  	s10 =	sadd.s32 $0x60600, s31;
	s7 =	sadd.s32 $0x92400, s9;
	s9 =	sadd.s32 $0x3800, s31  }
.LBB2_1:
0xe: {  	[spmem:s11], [sflag:s6] =	dma.local [hbm:s5], $0x2800  }
0xf: {  	_ =	swait.ge [sflag:s12], $0x2800  }
0x10: {  	[sflag:s12] =	ssyncset.done $0x0  }
0x11: {  	[sflag:s12] =	ssyncadd.s32 $0xFFFFD800  }
0x12: {  	s17 =	sadd.s32 $0x0, s10;
	[bflag:$0x0] =	sbarrier.arrive $0xFFFF  }
0x13: {  	[tilespmem:s3], [sflag:$0x2] =	stream.linear.gather [hbm4b:s17+s3], $0x80, $0x38;
	[tilespmem:$0x18100] =	vst v63  }
0x14: {  	_ =	swait.ge [sflag:s12], $0x80  }
0x15: {  	[sflag:s12] =	ssyncset.done $0x0  }
0x16: {  	s31 =	sadd.s32 $0x0, s9;
	[sflag:s12] =	ssyncadd.s32 $0xFFFFFF80  }
0x17: {  	[tilespmem:s13], [sflag:$0x2] =	stream.linear.gather [hbm4b:s31+s3], $0x80, $0x38;
	[tilespmem:$0x18100] =	vst v63  }
0x18: {  	_ =	swait.ge [sflag:s12], $0x80  }
0x19: {  	[sflag:s12] =	ssyncset.done $0x0  }
0x1a: {  	[sflag:s12] =	ssyncadd.s32 $0xFFFFFF80  }
0x1b: {  	[tilespmem:s14], [sflag:$0x1] =	stream.indirect.gather [hbm4b:s4+s13], $0x80, s3, s13, $0xb8;
	[tilespmem:$0x18100] =	vst v63  }
0x1c: {  	_ =	swait.ge [sflag:s15], $0x4000  }
0x1d: {  	[sflag:s15] =	ssyncset.done $0x0  }
0x1e: {  	[sflag:s15] =	ssyncadd.s32 $0xFFFFC000  }
0x1f: {  	[spmem:s2] =	stream.indirect.scatter.add.f32 [tilespmem:s14], [sflag:$0x2], $0x80, s13, s13, $0xb8;
	[tilespmem:$0x18100] =	vst v63  }
0x20: {  	_ =	swait.ge [sflag:s12], $0x4000  }
0x21: {  	s18 =	simm.s32 $0x20;
	s17 =	simm.s32 $0x10;
	[sflag:s12] =	ssyncset.done $0x0  }
.LBB2_2:
0x22: {  	s19 =	sadd.s32 s17, s10  }
0x23: {  	[sflag:s12] =	ssyncadd.s32 $0xFFFFC000;
	s20 =	smov.u32 s18;
	s21 =	sadd.s32 $0x10, s18  }
0x24: {  	[tilespmem:s3], [sflag:$0x2] =	stream.linear.gather [hbm4b:s19+s3], $0x80, $0x38;
	[tilespmem:$0x18100] =	vst v63  }
0x25: {  	p0 =	sne.s32 s18, $0x4E0;
	_ =	swait.ge [sflag:s12], $0x80  }
0x26: {  	[sflag:s12] =	ssyncset.done $0x0  }
0x27: {  	s18 =	sadd.s32 s17, s9;
	s17 =	smov.u32 s20;
	[sflag:s12] =	ssyncadd.s32 $0xFFFFFF80  }
0x28: {  	[tilespmem:s13], [sflag:$0x2] =	stream.linear.gather [hbm4b:s18+s3], $0x80, $0x38;
	[tilespmem:$0x18100] =	vst v63  }
0x29: {  	_ =	swait.ge [sflag:s12], $0x80  }
0x2a: {  	[sflag:s12] =	ssyncset.done $0x0  }
0x2b: {  	[sflag:s12] =	ssyncadd.s32 $0xFFFFFF80  }
0x2c: {  	[tilespmem:s14], [sflag:$0x1] =	stream.indirect.gather [hbm4b:s4+s13], $0x80, s3, s13, $0xb8;
	[tilespmem:$0x18100] =	vst v63  }
0x2d: {  	_ =	swait.ge [sflag:s15], $0x4000  }
.Ltmp0:
0x2e: {  	[sflag:s15] =	ssyncset.done $0x0;
	(pc) =	sbr.rel @p0 .LBB2_2-.Ltmp0, $4  }
0x2f: {  	[sflag:s15] =	ssyncadd.s32 $0xFFFFC000  }
0x30: {  	[spmem:s2] =	stream.indirect.scatter.add.f32 [tilespmem:s14], [sflag:$0x2], $0x80, s13, s13, $0xb8;
	[tilespmem:$0x18100] =	vst v63  }
0x31: {  	_ =	swait.ge [sflag:s12], $0x4000  }
0x32: {  	s18 =	smov.u32 s21;
	[sflag:s12] =	ssyncset.done $0x0  }
0x33: {  	s18 =	sadd.s32 s17, s10;
	[sflag:s12] =	ssyncadd.s32 $0xFFFFC000  }
0x34: {  	[tilespmem:s3], [sflag:$0x2] =	stream.linear.gather [hbm4b:s18+s3], $0x80, $0x38;
	[tilespmem:$0x18100] =	vst v63  }
0x35: {  	_ =	swait.ge [sflag:s12], $0x80  }
0x36: {  	[sflag:s12] =	ssyncset.done $0x0  }
0x37: {  	s31 =	sadd.s32 s17, s9;
	[sflag:s12] =	ssyncadd.s32 $0xFFFFFF80  }
0x38: {  	[tilespmem:s13], [sflag:$0x2] =	stream.linear.gather [hbm4b:s31+s3], $0x80, $0x38;
	[tilespmem:$0x18100] =	vst v63  }
0x39: {  	_ =	swait.ge [sflag:s12], $0x80  }
0x3a: {  	[sflag:s12] =	ssyncset.done $0x0  }
0x3b: {  	[sflag:s12] =	ssyncadd.s32 $0xFFFFFF80  }
0x3c: {  	[tilespmem:s14], [sflag:$0x1] =	stream.indirect.gather [hbm4b:s4+s13], $0x80, s3, s13, $0xb8;
	[tilespmem:$0x18100] =	vst v63  }
0x3d: {  	_ =	swait.ge [sflag:s15], $0x4000  }
0x3e: {  	[sflag:s15] =	ssyncset.done $0x0  }
0x3f: {  	[sflag:s15] =	ssyncadd.s32 $0xFFFFC000  }
0x40: {  	[spmem:s2] =	stream.indirect.scatter.add.f32 [tilespmem:s14], [sflag:$0x2], $0x80, s13, s13, $0xb8;
	[tilespmem:$0x18100] =	vst v63  }
0x41: {  	_ =	swait.ge [sflag:s12], $0x4000  }
0x42: {  	s16 =	sadd.s32 $0x1, s16;
	[sflag:s12] =	ssyncset.done $0x0  }
0x43: {  	p0 =	sne.s32 s16, s8;
	[sflag:s12] =	ssyncadd.s32 $0xFFFFC000  }
.Ltmp1:
0x44: {  	[bflag:$0x0] =	sbarrier.arrive $0xFFFF;
	(pc) =	sbr.rel @p0 .LBB2_1-.Ltmp1, $4  }
0x45: {  	[hbm:s7], [sflag:s6] =	dma.local [spmem:s11], $0x2800  }
0x46: {  	_ =	swait.ge [sflag:s12], $0x2800  }
0x47: {  	[sflag:s12] =	ssyncset.done $0x0  }
0x48: {  	[sflag:s12] =	ssyncadd.s32 $0xFFFFD800  }
0x49: {  	_ =	sfence.sel $0x180000  }
0x4a: {  	[bflag:$0x0] =	sbarrier.arrive $0xFFFF  }
0x4b: {  	p0 =	sne.s32 s1, $0x0;
	_ =	strace $0x9000004A  }
0x4c: {  	s0 =	sadd.s32 @!p0 $0x100000, s0;
	[bflag:$0x2] =	sbarrier.arrive $0xFFFF  }
0x4d: {  	[sflag:s0] =	ssyncadd.tile.s32 @!p0 $0x1;
	_ =	shalt  }
.Lfunc_end2:
_tile_overlayer_lowered:
.L_overlay_start_2:
0x4e: {  	(tag) =	ssettag $0x2  }
0x4f: {  	s0 =	rddreg [dreg:$0x0];
	s2 =	stileid.u32  }
0x50: {  	s1 =	rddreg [dreg:$0x1];
	p0 =	sne.s32 s2, $0x0  }
0x51: {  	s3 =	rddreg [dreg:$0x2];
	[bflag:$0x3] =	sbarrier.arrive $0xFFFF;
	s2 =	simm.s32 @!p0 $0x1C02  }
0x52: {  	[timem:s3], [sflag:s2] =	dma.local @!p0 [hbm:s0], s1  }
0x53: {  	s0 =	simm.s32 @!p0 $0x2  }
0x54: {  	_ =	swait.ge @!p0 [sflag:s0], s1  }
0x55: {  	s1 =	ssub.s32 @!p0 $0x0, s1;
	[sflag:s0] =	ssyncset.done @!p0 $0x0  }
0x56: {  	[sflag:s0] =	ssyncadd.s32 @!p0 s1  }
0x57: {  	[bflag:$0x3] =	sbarrier.arrive $0xFFFF  }
0x58: {  	_ =	shalt  }

// kernel: kernel.18.cloned.1.call-start
scs
__scs_entry_jumppad:
0x0: {  	(pc) =	sbr.rel $0x88, $3  }
0x1: {  	(tag) =	ssettag $0x0;
	lr =	simm.s32 $0x1  }
0x2: {  	[smem:$0x3F96] =	sst lr;
	_ =	strace $0xD0000000  }
0x3: {  	_ = 	snop  }
0x4: {  	_ = 	snop  }
0x5: {  	_ = 	snop  }
0x6: {  	_ = 	snop  }
0x7: {  	_ = 	snop  }
__scs_overlays_trampoline_lowered:
0x8: {  	[smem:$0x3FA5] =	sst s0  }
0x9: {  	[smem:$0x3FA6] =	sst s1  }
0xa: {  	[smem:$0x3FA7] =	sst s2  }
0xb: {  	[smem:$0x3FA8] =	sst s3  }
0xc: {  	[smem:$0x3FA9] =	sst s4  }
0xd: {  	[smem:$0x3FAA] =	sst s5  }
0xe: {  	[smem:$0x3FAB] =	sst s6  }
0xf: {  	[smem:$0x3FAC] =	sst s7  }
0x10: {  	[smem:$0x3FAD] =	sst s8  }
0x11: {  	[smem:$0x3FAE] =	sst s9;
	s0 =	simm.s32 @!p0 $0x0  }
0x12: {  	s1 =	sld [smem:$0x3F94];
	s0 =	simm.s32 @p0 $0x1  }
0x13: {  	[smem:$0x3FAF] =	sst s0;
	s0 =	simm.s32 @!p1 $0x0  }
0x14: {  	s2 =	sld [smem:$0x3F93];
	s0 =	simm.s32 @p1 $0x1  }
0x15: {  	[smem:$0x3FB0] =	sst s0;
	s0 =	simm.s32 @!p2 $0x0  }
0x16: {  	s3 =	sld [smem:$0x3FDB];
	s0 =	simm.s32 @p2 $0x1  }
0x17: {  	s4 =	simm.s32 $0x1BF5;
	[smem:$0x3FB2] =	sst s0  }
0x18: {  	s0 =	sld [smem:$0x3F95];
	_ =	swait.ge [sflag:s4], $0x0  }
0x19: {  	s7 =	sld [smem:$0x3F96]  }
0x1a: {  	s8 =	sadd.s32 $0xFFFFE003, lr  }
0x1b: {  	s9 =	sadd.s32 $0xFFFFFEF7, lr;
	s5 =	simm.s32 $0xFFFFFFFF;
	p2 =	slt.u32 s8, $0xFFFFF086  }
0x1c: {  	p1 =	slt.u32 s9, $0xF7A;
	s5 =	simm.s32 @!p2 $0x0  }
0x1d: {  	s5 =	simm.s32 @p1 $0x1;
	p0 =	seq.s32 s7, s2  }
0x1e: {  	s7 =	smul.u32 @!p0 $0xF7A, s2;
	p2 =	seq.s32 @!p0 s5, $0x0  }
0x1f: {  	s9 =	smul.u32 $0xF7A, s1;
	s8 =	simm.s32 @!p0 $0x1BF5;
	p2 =	por !p2, p0  }
0x20: {  	[sflag:s8] =	ssyncset.s32 @!p0 $0xFFFFF086;
	s6 =	sadd.s32 @!p0 s3, s7;
	s7 =	simm.s32 @!p0 $0x108  }
0x21: {  	s3 =	sadd.s32 s3, s9;
	s6 =	sadd.s32 @!p0 $0x88, s6;
	s7 =	simm.s32 @p2 $0x1082  }
0x22: {  	[simem:s7], [sflag:s8] =	dma.local @!p0 [hbm:s6], $0xF7A  }
0x23: {  	s9 =	sor.u32 $0xD0000000, s2;
	s6 =	simm.s32 $0x108;
	_ =	swait.ge @!p0 [sflag:s8], $0x0  }
0x24: {  	s3 =	sadd.s32 $0x88, s3;
	s6 =	simm.s32 @!p1 $0x1082;
	[sflag:s4] =	ssyncset.s32 $0xFFFFF086  }
0x25: {  	[simem:s6], [sflag:s4] =	dma.local [hbm:s3], $0xF7A  }
0x26: {  	[smem:$0x3F96] =	sst s1;
	(tag) =	ssettag s2;
	_ =	strace s9  }
0x27: {  	s1 =	sld [smem:$0x3FA6]  }
0x28: {  	s2 =	sld [smem:$0x3FA7]  }
0x29: {  	s4 =	sld [smem:$0x3FA9]  }
0x2a: {  	p0 =	seq.s32 s5, $0x0;
	s5 =	sld [smem:$0x3FAA]  }
0x2b: {  	s6 =	sld [smem:$0x3FAB]  }
0x2c: {  	s7 =	sld [smem:$0x3FAC]  }
0x2d: {  	s3 =	simm.s32 $0x108;
	s8 =	sld [smem:$0x3FAD]  }
0x2e: {  	s3 =	simm.s32 @!p0 $0x1082;
	s9 =	sld [smem:$0x3FAE]  }
0x2f: {  	lr =	sadd.s32 s0, s3;
	s0 =	sld [smem:$0x3FA5]  }
0x30: {  	s3 =	sld [smem:$0x3FA8]  }
0x31: {  	[smem:$0x3FB1] =	sst s10  }
0x32: {  	s10 =	sld [smem:$0x3FAF];
	_ =	sdelay $0x3  }
0x33: {  	p0 =	seq.s32 s10, $0x1;
	s10 =	sld [smem:$0x3FB1];
	_ =	sdelay $0x3  }
0x34: {  	[smem:$0x3FB1] =	sst s10  }
0x35: {  	s10 =	sld [smem:$0x3FB0];
	_ =	sdelay $0x3  }
0x36: {  	p1 =	seq.s32 s10, $0x1;
	s10 =	sld [smem:$0x3FB1];
	_ =	sdelay $0x3  }
0x37: {  	[smem:$0x3FB1] =	sst s10  }
0x38: {  	s10 =	sld [smem:$0x3FB2]  }
0x39: {  	_ = 	snop;
	(pc) =	sbr.ind lr, $3  }
0x3a: {  	_ = 	snop  }
0x3b: {  	_ = 	snop  }
0x3c: {  	p2 =	seq.s32 s10, $0x1;
	s10 =	sld [smem:$0x3FB1]  }
0x3d: {  	_ =	shalt  }
0x3e: {  	_ =	shalt  }
0x3f: {  	_ =	shalt  }
0x40: {  	_ =	shalt  }
0x41: {  	_ =	shalt  }
0x42: {  	_ =	shalt  }
0x43: {  	_ =	shalt  }
0x44: {  	_ =	shalt  }
0x45: {  	_ =	shalt  }
0x46: {  	_ =	shalt  }
0x47: {  	_ =	shalt  }
0x48: {  	_ =	shalt  }
0x49: {  	_ =	shalt  }
0x4a: {  	_ =	shalt  }
0x4b: {  	_ =	shalt  }
0x4c: {  	_ =	shalt  }
0x4d: {  	_ =	shalt  }
0x4e: {  	_ =	shalt  }
0x4f: {  	_ =	shalt  }
0x50: {  	_ =	shalt  }
0x51: {  	_ =	shalt  }
0x52: {  	_ =	shalt  }
0x53: {  	_ =	shalt  }
0x54: {  	_ =	shalt  }
0x55: {  	_ =	shalt  }
0x56: {  	_ =	shalt  }
0x57: {  	_ =	shalt  }
0x58: {  	_ =	shalt  }
0x59: {  	_ =	shalt  }
0x5a: {  	_ =	shalt  }
0x5b: {  	_ =	shalt  }
0x5c: {  	_ =	shalt  }
0x5d: {  	_ =	shalt  }
0x5e: {  	_ =	shalt  }
0x5f: {  	_ =	shalt  }
0x60: {  	_ =	shalt  }
0x61: {  	_ =	shalt  }
0x62: {  	_ =	shalt  }
0x63: {  	_ =	shalt  }
0x64: {  	_ =	shalt  }
0x65: {  	_ =	shalt  }
0x66: {  	_ =	shalt  }
0x67: {  	_ =	shalt  }
0x68: {  	_ =	shalt  }
0x69: {  	_ =	shalt  }
0x6a: {  	_ =	shalt  }
0x6b: {  	_ =	shalt  }
0x6c: {  	_ =	shalt  }
0x6d: {  	_ =	shalt  }
0x6e: {  	_ =	shalt  }
0x6f: {  	_ =	shalt  }
0x70: {  	_ =	shalt  }
0x71: {  	_ =	shalt  }
0x72: {  	_ =	shalt  }
0x73: {  	_ =	shalt  }
0x74: {  	_ =	shalt  }
0x75: {  	_ =	shalt  }
0x76: {  	_ =	shalt  }
0x77: {  	_ =	shalt  }
0x78: {  	_ =	shalt  }
0x79: {  	_ =	shalt  }
0x7a: {  	_ =	shalt  }
0x7b: {  	_ =	shalt  }
0x7c: {  	_ =	shalt  }
0x7d: {  	_ =	shalt  }
0x7e: {  	_ =	shalt  }
0x7f: {  	_ =	shalt  }
0x80: {  	_ =	shalt  }
0x81: {  	_ =	shalt  }
0x82: {  	_ =	shalt  }
0x83: {  	_ =	shalt  }
0x84: {  	_ =	shalt  }
0x85: {  	_ =	shalt  }
0x86: {  	_ =	shalt  }
0x87: {  	_ =	shalt  }
.Lfunc_end0:
.L_simem_size_0:
called_computation.2_lowered:
.L_overlay_start_0:
0x88: {  	s2 =	sld [smem:$0x3FD9]  }
0x89: {  	s3 =	sld [smem:$0x3FFE];
	_ =	sdelay $0x1  }
0x8a: {  	s1 =	srdreg.scid  }
0x8b: {  	s0 =	sand.u32 $0x1, s1  }
0x8c: {  	s16 =	sshll.u32 s0, $0xA;
	s2 =	sadd.s32 s3, s2  }
0x8d: {  	s2 =	sadd.s32 s2, s16  }
0x8e: {  	[smem:$0x3FBD] =	sst s2  }
0x8f: {  	_ = 	snop  }
0x90: {  	(tm) =	ssettm $0x1  }
0x91: {  	s17 =	sld [smem:$0x3FFB];
	_ =	sdelay $0x3  }
0x92: {  	_ =	strace s17  }
0x93: {  	s2 =	sld [smem:$0x3FFC];
	_ =	sdelay $0x3  }
0x94: {  	_ =	strace s2  }
0x95: {  	s2 =	sld [smem:$0x3FFD];
	_ =	sdelay $0x3  }
0x96: {  	_ =	strace s2  }
0x97: {  	_ =	strace $0x8FFFFFFF  }
0x98: {  	s18 =	sld [smem:$0x3FDB];
	_ =	sdelay $0x1  }
0x99: {  	s19 =	simm.s32 $_scs_section_size  }
0x9a: {  	s4 =	simm.s32 $_size__tile_overlayer_lowered;
	s5 =	simm.s32 $_tile_overlayer_lowered  }
0x9b: {  	s22 =	simm.s32 $0x1BFF;
	s21 =	sshll.u32 s5, $0x1;
	s2 =	sadd.s32 s19, s18  }
0x9c: {  	s6 =	simm.s32 $0x0;
	s20 =	sshll.u32 s4, $0x1;
	s4 =	sadd.s32 s21, s2  }
0x9d: {  	[timem:s6], [sflag:s22] =	dma.local [hbm:s4], s20  }
0x9e: {  	_ =	swait.ge [sflag:s22], s20  }
0x9f: {  	s3 =	ssub.s32 $0x0, s20;
	[sflag:s22] =	ssyncset.done $0x0  }
0xa0: {  	[sflag:s22] =	ssyncadd.s32 s3;
	_ =	sdelay $0x1  }
0xa1: {  	s23 =	simm.s32 $0x1B8B  }
0xa2: {  	_ =	swait.ge [sflag:s23], $0x1  }
0xa3: {  	[sflag:s23] =	ssyncset.done $0x0  }
0xa4: {  	s25 =	simm.s32 $0x1B8E;
	s24 =	sld [smem:$0x3FFE];
	[sflag:s23] =	ssyncadd.s32 $0xFFFFFFFF  }
0xa5: {  	s26 =	simm.s32 $execute0_lowered;
	[smem:$0x3FD2] =	sst s25  }
0xa6: {  	s4 =	sshll.u32 s26, $0x1;
	_ =	strace $0x8000004C;
	[dreg:$0x1] =	wrdreg $0xFFFFFFFF  }
0xa7: {  	s28 =	simm.s32 $_size_execute0_lowered;
	s2 =	sadd.s32 s2, s4;
	[dreg:$0x0] =	wrdreg $0x0  }
0xa8: {  	s4 =	sshll.u32 s28, $0x1;
	[dreg:$0x2] =	wrdreg s2  }
0xa9: {  	[dreg:$0x3] =	wrdreg s4  }
0xaa: {  	[dreg:$0x4] =	wrdreg $0xC0  }
0xab: {  	_ =	task [dreg:s6], $0x5FFFF  }
0xac: {  	[dreg:$0x1] =	wrdreg $0xFFFFFFFF  }
0xad: {  	[dreg:$0x0] =	wrdreg $0x60  }
0xae: {  	[dreg:$0x2] =	wrdreg s24  }
0xaf: {  	[dreg:$0x3] =	wrdreg $0x41000  }
0xb0: {  	[dreg:$0x4] =	wrdreg $0x9  }
0xb1: {  	_ =	task.clear_ibuf [dreg:s6], $0x5FFFF;
	_ =	strace $0x9000004C  }
0xb2: {  	s29 =	simm.s32 $0x9;
	_ =	strace $0x8000004E  }
0xb3: {  	_ =	swait.ge [sflag:s29], $0x1  }
0xb4: {  	[sflag:s29] =	ssyncadd.s32 $0xFFFFFFFF  }
0xb5: {  	_ =	strace $0x9000004E  }
0xb6: {  	_ =	sfence  }
0xb7: {  	s30 =	sld [smem:$0x0];
	_ =	sdelay $0x2  }
0xb8: {  	s31 =	sshll.u32 s1, $0xD;
	s1 =	sshrl.u32 s1, $0x2  }
0xb9: {  	s3 =	sand.u32 $0x4000, s31;
	s1 =	sadd.s32 s1, s30  }
0xba: {  	s0 =	sor.u32 s3, s0;
	s1 =	sshll.u32 s1, $0x11  }
0xbb: {  	s0 =	sor.u32 s1, s0  }
0xbc: {  	s0 =	sadd.s32 $0x8F2B, s0  }
0xbd: {  	[sflag:s0] =	ssyncadd.remote.s32 $0x1  }
0xbe: {  	_ =	sfence.sel $0xFFFF  }
0xbf: {  	[dreg:$0x0] =	wrdreg $0xFFFFFFFF;
	(pc) =	sbr.abs _section_cstart, $3  }
0xc0: {  	[dreg:$0x1] =	wrdreg $0xFFFFFFFF  }
0xc1: {  	_ =	task.clear_ibuf [dreg:s6], $0x2FFFF;
	_ =	strace $0x9FFFFFFF  }
0xc2: {  	(tm) =	ssettm $0x7FFFFFFF  }
0xc3: {  	_ =	shalt  }
tec
execute0_lowered:
.L_overlay_start_1:
0x0: {  	(tag) =	ssettag $0x1  }
0x1: {  	s6 =	rddreg [dreg:$0x0];
	s0 =	srdreg.scid  }
0x2: {  	s2 =	rddreg [dreg:$0x1];
	s1 =	stileid.u32;
	s3 =	simm.s32 $0x0  }
0x3: {  	s14 =	simm.s32 $0x100;
	s15 =	simm.s32 $0x1;
	s8 =	smul.u32 $0x14000, s1  }
0x4: {  	s7 =	sand.u32 $0x1, s0;
	s0 =	rddreg [dreg:$0x2];
	s10 =	smul.u32 $0x50000, s1  }
0x5: {  	s16 =	simm.s32 $0x0;
	[smem:$0x7FF] =	sst s3;
	s11 =	smul.u32 $0x4F0, s1  }
0x6: {  	s4 =	sadd.s32 $0x6A400, s6;
	s30 =	sshll.u32 s1, $0x6;
	s5 =	smul.u32 $0x140000, s7  }
0x7: {  	s9 =	smul.u32 $0x4F00, s7;
	_ =	strace $0x8000004D;
	s29 =	ssub.s32 $0x2, s7  }
0x8: {  	s7 =	sshrl.u32 s29, $0x1;
	s10 =	sshrl.u32 s10, $0x2;
	s5 =	sadd.s32 s8, s5  }
0x9: {  	s26 =	sadd.s32 s9, s6;
	s12 =	ssub.s32 s29, s7;
	s13 =	sadd.s32 s10, s2  }
0xa: {  	s28 =	sshrl.u32 s5, $0x3;
	s5 =	sadd.s32 $0xD600, s6;
	s31 =	sadd.s32 s11, s26  }
0xb: {  	s8 =	smax.u32 s12, $0x1;
	s11 =	sshrl.u32 s13, $0x3;
	s12 =	simm.s32 $0x2  }
0xc: {  	s13 =	simm.s32 $0x80;
	s9 =	sadd.s32 s28, s6;
	s6 =	sor.u32 $0x1C02, s30  }
0xd: {  	s10 =	sadd.s32 $0x60600, s31;
	s7 =	sadd.s32 $0x92400, s9;
	s9 =	sadd.s32 $0x3800, s31  }
.LBB2_1:
0xe: {  	[spmem:s11], [sflag:s6] =	dma.local [hbm:s5], $0x2800  }
0xf: {  	_ =	swait.ge [sflag:s12], $0x2800  }
0x10: {  	[sflag:s12] =	ssyncset.done $0x0  }
0x11: {  	[sflag:s12] =	ssyncadd.s32 $0xFFFFD800  }
0x12: {  	s17 =	sadd.s32 $0x0, s10;
	[bflag:$0x0] =	sbarrier.arrive $0xFFFF  }
0x13: {  	[tilespmem:s3], [sflag:$0x2] =	stream.linear.gather [hbm4b:s17+s3], $0x80, $0x38;
	[tilespmem:$0x18100] =	vst v63  }
0x14: {  	_ =	swait.ge [sflag:s12], $0x80  }
0x15: {  	[sflag:s12] =	ssyncset.done $0x0  }
0x16: {  	s31 =	sadd.s32 $0x0, s9;
	[sflag:s12] =	ssyncadd.s32 $0xFFFFFF80  }
0x17: {  	[tilespmem:s13], [sflag:$0x2] =	stream.linear.gather [hbm4b:s31+s3], $0x80, $0x38;
	[tilespmem:$0x18100] =	vst v63  }
0x18: {  	_ =	swait.ge [sflag:s12], $0x80  }
0x19: {  	[sflag:s12] =	ssyncset.done $0x0  }
0x1a: {  	[sflag:s12] =	ssyncadd.s32 $0xFFFFFF80  }
0x1b: {  	[tilespmem:s14], [sflag:$0x1] =	stream.indirect.gather [hbm4b:s4+s13], $0x80, s3, s13, $0xb8;
	[tilespmem:$0x18100] =	vst v63  }
0x1c: {  	_ =	swait.ge [sflag:s15], $0x4000  }
0x1d: {  	[sflag:s15] =	ssyncset.done $0x0  }
0x1e: {  	[sflag:s15] =	ssyncadd.s32 $0xFFFFC000  }
0x1f: {  	[spmem:s2] =	stream.indirect.scatter.add.f32 [tilespmem:s14], [sflag:$0x2], $0x80, s13, s13, $0xb8;
	[tilespmem:$0x18100] =	vst v63  }
0x20: {  	_ =	swait.ge [sflag:s12], $0x4000  }
0x21: {  	s18 =	simm.s32 $0x20;
	s17 =	simm.s32 $0x10;
	[sflag:s12] =	ssyncset.done $0x0  }
.LBB2_2:
0x22: {  	s19 =	sadd.s32 s17, s10  }
0x23: {  	[sflag:s12] =	ssyncadd.s32 $0xFFFFC000;
	s20 =	smov.u32 s18;
	s21 =	sadd.s32 $0x10, s18  }
0x24: {  	[tilespmem:s3], [sflag:$0x2] =	stream.linear.gather [hbm4b:s19+s3], $0x80, $0x38;
	[tilespmem:$0x18100] =	vst v63  }
0x25: {  	p0 =	sne.s32 s18, $0x4E0;
	_ =	swait.ge [sflag:s12], $0x80  }
0x26: {  	[sflag:s12] =	ssyncset.done $0x0  }
0x27: {  	s18 =	sadd.s32 s17, s9;
	s17 =	smov.u32 s20;
	[sflag:s12] =	ssyncadd.s32 $0xFFFFFF80  }
0x28: {  	[tilespmem:s13], [sflag:$0x2] =	stream.linear.gather [hbm4b:s18+s3], $0x80, $0x38;
	[tilespmem:$0x18100] =	vst v63  }
0x29: {  	_ =	swait.ge [sflag:s12], $0x80  }
0x2a: {  	[sflag:s12] =	ssyncset.done $0x0  }
0x2b: {  	[sflag:s12] =	ssyncadd.s32 $0xFFFFFF80  }
0x2c: {  	[tilespmem:s14], [sflag:$0x1] =	stream.indirect.gather [hbm4b:s4+s13], $0x80, s3, s13, $0xb8;
	[tilespmem:$0x18100] =	vst v63  }
0x2d: {  	_ =	swait.ge [sflag:s15], $0x4000  }
.Ltmp0:
0x2e: {  	[sflag:s15] =	ssyncset.done $0x0;
	(pc) =	sbr.rel @p0 .LBB2_2-.Ltmp0, $4  }
0x2f: {  	[sflag:s15] =	ssyncadd.s32 $0xFFFFC000  }
0x30: {  	[spmem:s2] =	stream.indirect.scatter.add.f32 [tilespmem:s14], [sflag:$0x2], $0x80, s13, s13, $0xb8;
	[tilespmem:$0x18100] =	vst v63  }
0x31: {  	_ =	swait.ge [sflag:s12], $0x4000  }
0x32: {  	s18 =	smov.u32 s21;
	[sflag:s12] =	ssyncset.done $0x0  }
0x33: {  	s18 =	sadd.s32 s17, s10;
	[sflag:s12] =	ssyncadd.s32 $0xFFFFC000  }
0x34: {  	[tilespmem:s3], [sflag:$0x2] =	stream.linear.gather [hbm4b:s18+s3], $0x80, $0x38;
	[tilespmem:$0x18100] =	vst v63  }
0x35: {  	_ =	swait.ge [sflag:s12], $0x80  }
0x36: {  	[sflag:s12] =	ssyncset.done $0x0  }
0x37: {  	s31 =	sadd.s32 s17, s9;
	[sflag:s12] =	ssyncadd.s32 $0xFFFFFF80  }
0x38: {  	[tilespmem:s13], [sflag:$0x2] =	stream.linear.gather [hbm4b:s31+s3], $0x80, $0x38;
	[tilespmem:$0x18100] =	vst v63  }
0x39: {  	_ =	swait.ge [sflag:s12], $0x80  }
0x3a: {  	[sflag:s12] =	ssyncset.done $0x0  }
0x3b: {  	[sflag:s12] =	ssyncadd.s32 $0xFFFFFF80  }
0x3c: {  	[tilespmem:s14], [sflag:$0x1] =	stream.indirect.gather [hbm4b:s4+s13], $0x80, s3, s13, $0xb8;
	[tilespmem:$0x18100] =	vst v63  }
0x3d: {  	_ =	swait.ge [sflag:s15], $0x4000  }
0x3e: {  	[sflag:s15] =	ssyncset.done $0x0  }
0x3f: {  	[sflag:s15] =	ssyncadd.s32 $0xFFFFC000  }
0x40: {  	[spmem:s2] =	stream.indirect.scatter.add.f32 [tilespmem:s14], [sflag:$0x2], $0x80, s13, s13, $0xb8;
	[tilespmem:$0x18100] =	vst v63  }
0x41: {  	_ =	swait.ge [sflag:s12], $0x4000  }
0x42: {  	s16 =	sadd.s32 $0x1, s16;
	[sflag:s12] =	ssyncset.done $0x0  }
0x43: {  	p0 =	sne.s32 s16, s8;
	[sflag:s12] =	ssyncadd.s32 $0xFFFFC000  }
.Ltmp1:
0x44: {  	[bflag:$0x0] =	sbarrier.arrive $0xFFFF;
	(pc) =	sbr.rel @p0 .LBB2_1-.Ltmp1, $4  }
0x45: {  	[hbm:s7], [sflag:s6] =	dma.local [spmem:s11], $0x2800  }
0x46: {  	_ =	swait.ge [sflag:s12], $0x2800  }
0x47: {  	[sflag:s12] =	ssyncset.done $0x0  }
0x48: {  	[sflag:s12] =	ssyncadd.s32 $0xFFFFD800  }
0x49: {  	_ =	sfence.sel $0x180000  }
0x4a: {  	[bflag:$0x0] =	sbarrier.arrive $0xFFFF  }
0x4b: {  	p0 =	sne.s32 s1, $0x0;
	_ =	strace $0x9000004D  }
0x4c: {  	s0 =	sadd.s32 @!p0 $0x100000, s0;
	[bflag:$0x2] =	sbarrier.arrive $0xFFFF  }
0x4d: {  	[sflag:s0] =	ssyncadd.tile.s32 @!p0 $0x1;
	_ =	shalt  }
.Lfunc_end2:
_tile_overlayer_lowered:
.L_overlay_start_2:
0x4e: {  	(tag) =	ssettag $0x2  }
0x4f: {  	s0 =	rddreg [dreg:$0x0];
	s2 =	stileid.u32  }
0x50: {  	s1 =	rddreg [dreg:$0x1];
	p0 =	sne.s32 s2, $0x0  }
0x51: {  	s3 =	rddreg [dreg:$0x2];
	[bflag:$0x3] =	sbarrier.arrive $0xFFFF;
	s2 =	simm.s32 @!p0 $0x1C02  }
0x52: {  	[timem:s3], [sflag:s2] =	dma.local @!p0 [hbm:s0], s1  }
0x53: {  	s0 =	simm.s32 @!p0 $0x2  }
0x54: {  	_ =	swait.ge @!p0 [sflag:s0], s1  }
0x55: {  	s1 =	ssub.s32 @!p0 $0x0, s1;
	[sflag:s0] =	ssyncset.done @!p0 $0x0  }
0x56: {  	[sflag:s0] =	ssyncadd.s32 @!p0 s1  }
0x57: {  	[bflag:$0x3] =	sbarrier.arrive $0xFFFF  }
0x58: {  	_ =	shalt  }

// kernel: kernel.21.cloned.1.call-start
scs
__scs_entry_jumppad:
0x0: {  	(pc) =	sbr.rel $0x88, $3  }
0x1: {  	(tag) =	ssettag $0x0;
	lr =	simm.s32 $0x1  }
0x2: {  	[smem:$0x3F96] =	sst lr;
	_ =	strace $0xD0000000  }
0x3: {  	_ = 	snop  }
0x4: {  	_ = 	snop  }
0x5: {  	_ = 	snop  }
0x6: {  	_ = 	snop  }
0x7: {  	_ = 	snop  }
__scs_overlays_trampoline_lowered:
0x8: {  	[smem:$0x3FA5] =	sst s0  }
0x9: {  	[smem:$0x3FA6] =	sst s1  }
0xa: {  	[smem:$0x3FA7] =	sst s2  }
0xb: {  	[smem:$0x3FA8] =	sst s3  }
0xc: {  	[smem:$0x3FA9] =	sst s4  }
0xd: {  	[smem:$0x3FAA] =	sst s5  }
0xe: {  	[smem:$0x3FAB] =	sst s6  }
0xf: {  	[smem:$0x3FAC] =	sst s7  }
0x10: {  	[smem:$0x3FAD] =	sst s8  }
0x11: {  	[smem:$0x3FAE] =	sst s9;
	s0 =	simm.s32 @!p0 $0x0  }
0x12: {  	s1 =	sld [smem:$0x3F94];
	s0 =	simm.s32 @p0 $0x1  }
0x13: {  	[smem:$0x3FAF] =	sst s0;
	s0 =	simm.s32 @!p1 $0x0  }
0x14: {  	s2 =	sld [smem:$0x3F93];
	s0 =	simm.s32 @p1 $0x1  }
0x15: {  	[smem:$0x3FB0] =	sst s0;
	s0 =	simm.s32 @!p2 $0x0  }
0x16: {  	s3 =	sld [smem:$0x3FDB];
	s0 =	simm.s32 @p2 $0x1  }
0x17: {  	s4 =	simm.s32 $0x1BF5;
	[smem:$0x3FB2] =	sst s0  }
0x18: {  	s0 =	sld [smem:$0x3F95];
	_ =	swait.ge [sflag:s4], $0x0  }
0x19: {  	s7 =	sld [smem:$0x3F96]  }
0x1a: {  	s8 =	sadd.s32 $0xFFFFE003, lr  }
0x1b: {  	s9 =	sadd.s32 $0xFFFFFEF7, lr;
	s5 =	simm.s32 $0xFFFFFFFF;
	p2 =	slt.u32 s8, $0xFFFFF086  }
0x1c: {  	p1 =	slt.u32 s9, $0xF7A;
	s5 =	simm.s32 @!p2 $0x0  }
0x1d: {  	s5 =	simm.s32 @p1 $0x1;
	p0 =	seq.s32 s7, s2  }
0x1e: {  	s7 =	smul.u32 @!p0 $0xF7A, s2;
	p2 =	seq.s32 @!p0 s5, $0x0  }
0x1f: {  	s9 =	smul.u32 $0xF7A, s1;
	s8 =	simm.s32 @!p0 $0x1BF5;
	p2 =	por !p2, p0  }
0x20: {  	[sflag:s8] =	ssyncset.s32 @!p0 $0xFFFFF086;
	s6 =	sadd.s32 @!p0 s3, s7;
	s7 =	simm.s32 @!p0 $0x108  }
0x21: {  	s3 =	sadd.s32 s3, s9;
	s6 =	sadd.s32 @!p0 $0x88, s6;
	s7 =	simm.s32 @p2 $0x1082  }
0x22: {  	[simem:s7], [sflag:s8] =	dma.local @!p0 [hbm:s6], $0xF7A  }
0x23: {  	s9 =	sor.u32 $0xD0000000, s2;
	s6 =	simm.s32 $0x108;
	_ =	swait.ge @!p0 [sflag:s8], $0x0  }
0x24: {  	s3 =	sadd.s32 $0x88, s3;
	s6 =	simm.s32 @!p1 $0x1082;
	[sflag:s4] =	ssyncset.s32 $0xFFFFF086  }
0x25: {  	[simem:s6], [sflag:s4] =	dma.local [hbm:s3], $0xF7A  }
0x26: {  	[smem:$0x3F96] =	sst s1;
	(tag) =	ssettag s2;
	_ =	strace s9  }
0x27: {  	s1 =	sld [smem:$0x3FA6]  }
0x28: {  	s2 =	sld [smem:$0x3FA7]  }
0x29: {  	s4 =	sld [smem:$0x3FA9]  }
0x2a: {  	p0 =	seq.s32 s5, $0x0;
	s5 =	sld [smem:$0x3FAA]  }
0x2b: {  	s6 =	sld [smem:$0x3FAB]  }
0x2c: {  	s7 =	sld [smem:$0x3FAC]  }
0x2d: {  	s3 =	simm.s32 $0x108;
	s8 =	sld [smem:$0x3FAD]  }
0x2e: {  	s3 =	simm.s32 @!p0 $0x1082;
	s9 =	sld [smem:$0x3FAE]  }
0x2f: {  	lr =	sadd.s32 s0, s3;
	s0 =	sld [smem:$0x3FA5]  }
0x30: {  	s3 =	sld [smem:$0x3FA8]  }
0x31: {  	[smem:$0x3FB1] =	sst s10  }
0x32: {  	s10 =	sld [smem:$0x3FAF];
	_ =	sdelay $0x3  }
0x33: {  	p0 =	seq.s32 s10, $0x1;
	s10 =	sld [smem:$0x3FB1];
	_ =	sdelay $0x3  }
0x34: {  	[smem:$0x3FB1] =	sst s10  }
0x35: {  	s10 =	sld [smem:$0x3FB0];
	_ =	sdelay $0x3  }
0x36: {  	p1 =	seq.s32 s10, $0x1;
	s10 =	sld [smem:$0x3FB1];
	_ =	sdelay $0x3  }
0x37: {  	[smem:$0x3FB1] =	sst s10  }
0x38: {  	s10 =	sld [smem:$0x3FB2]  }
0x39: {  	_ = 	snop;
	(pc) =	sbr.ind lr, $3  }
0x3a: {  	_ = 	snop  }
0x3b: {  	_ = 	snop  }
0x3c: {  	p2 =	seq.s32 s10, $0x1;
	s10 =	sld [smem:$0x3FB1]  }
0x3d: {  	_ =	shalt  }
0x3e: {  	_ =	shalt  }
0x3f: {  	_ =	shalt  }
0x40: {  	_ =	shalt  }
0x41: {  	_ =	shalt  }
0x42: {  	_ =	shalt  }
0x43: {  	_ =	shalt  }
0x44: {  	_ =	shalt  }
0x45: {  	_ =	shalt  }
0x46: {  	_ =	shalt  }
0x47: {  	_ =	shalt  }
0x48: {  	_ =	shalt  }
0x49: {  	_ =	shalt  }
0x4a: {  	_ =	shalt  }
0x4b: {  	_ =	shalt  }
0x4c: {  	_ =	shalt  }
0x4d: {  	_ =	shalt  }
0x4e: {  	_ =	shalt  }
0x4f: {  	_ =	shalt  }
0x50: {  	_ =	shalt  }
0x51: {  	_ =	shalt  }
0x52: {  	_ =	shalt  }
0x53: {  	_ =	shalt  }
0x54: {  	_ =	shalt  }
0x55: {  	_ =	shalt  }
0x56: {  	_ =	shalt  }
0x57: {  	_ =	shalt  }
0x58: {  	_ =	shalt  }
0x59: {  	_ =	shalt  }
0x5a: {  	_ =	shalt  }
0x5b: {  	_ =	shalt  }
0x5c: {  	_ =	shalt  }
0x5d: {  	_ =	shalt  }
0x5e: {  	_ =	shalt  }
0x5f: {  	_ =	shalt  }
0x60: {  	_ =	shalt  }
0x61: {  	_ =	shalt  }
0x62: {  	_ =	shalt  }
0x63: {  	_ =	shalt  }
0x64: {  	_ =	shalt  }
0x65: {  	_ =	shalt  }
0x66: {  	_ =	shalt  }
0x67: {  	_ =	shalt  }
0x68: {  	_ =	shalt  }
0x69: {  	_ =	shalt  }
0x6a: {  	_ =	shalt  }
0x6b: {  	_ =	shalt  }
0x6c: {  	_ =	shalt  }
0x6d: {  	_ =	shalt  }
0x6e: {  	_ =	shalt  }
0x6f: {  	_ =	shalt  }
0x70: {  	_ =	shalt  }
0x71: {  	_ =	shalt  }
0x72: {  	_ =	shalt  }
0x73: {  	_ =	shalt  }
0x74: {  	_ =	shalt  }
0x75: {  	_ =	shalt  }
0x76: {  	_ =	shalt  }
0x77: {  	_ =	shalt  }
0x78: {  	_ =	shalt  }
0x79: {  	_ =	shalt  }
0x7a: {  	_ =	shalt  }
0x7b: {  	_ =	shalt  }
0x7c: {  	_ =	shalt  }
0x7d: {  	_ =	shalt  }
0x7e: {  	_ =	shalt  }
0x7f: {  	_ =	shalt  }
0x80: {  	_ =	shalt  }
0x81: {  	_ =	shalt  }
0x82: {  	_ =	shalt  }
0x83: {  	_ =	shalt  }
0x84: {  	_ =	shalt  }
0x85: {  	_ =	shalt  }
0x86: {  	_ =	shalt  }
0x87: {  	_ =	shalt  }
.Lfunc_end0:
.L_simem_size_0:
called_computation.3_lowered:
.L_overlay_start_0:
0x88: {  	s2 =	sld [smem:$0x3FD9]  }
0x89: {  	s3 =	sld [smem:$0x3FFE];
	_ =	sdelay $0x1  }
0x8a: {  	s1 =	srdreg.scid  }
0x8b: {  	s0 =	sand.u32 $0x1, s1  }
0x8c: {  	s16 =	sshll.u32 s0, $0xA;
	s2 =	sadd.s32 s3, s2  }
0x8d: {  	s2 =	sadd.s32 s2, s16  }
0x8e: {  	[smem:$0x3FBD] =	sst s2  }
0x8f: {  	_ = 	snop  }
0x90: {  	(tm) =	ssettm $0x1  }
0x91: {  	s17 =	sld [smem:$0x3FFB];
	_ =	sdelay $0x3  }
0x92: {  	_ =	strace s17  }
0x93: {  	s2 =	sld [smem:$0x3FFC];
	_ =	sdelay $0x3  }
0x94: {  	_ =	strace s2  }
0x95: {  	s2 =	sld [smem:$0x3FFD];
	_ =	sdelay $0x3  }
0x96: {  	_ =	strace s2  }
0x97: {  	_ =	strace $0x8FFFFFFF  }
0x98: {  	s18 =	sld [smem:$0x3FDB];
	_ =	sdelay $0x1  }
0x99: {  	s19 =	simm.s32 $_scs_section_size  }
0x9a: {  	s4 =	simm.s32 $_size__tile_overlayer_lowered;
	s5 =	simm.s32 $_tile_overlayer_lowered  }
0x9b: {  	s22 =	simm.s32 $0x1BFF;
	s21 =	sshll.u32 s5, $0x1;
	s2 =	sadd.s32 s19, s18  }
0x9c: {  	s6 =	simm.s32 $0x0;
	s20 =	sshll.u32 s4, $0x1;
	s4 =	sadd.s32 s21, s2  }
0x9d: {  	[timem:s6], [sflag:s22] =	dma.local [hbm:s4], s20  }
0x9e: {  	_ =	swait.ge [sflag:s22], s20  }
0x9f: {  	s3 =	ssub.s32 $0x0, s20;
	[sflag:s22] =	ssyncset.done $0x0  }
0xa0: {  	[sflag:s22] =	ssyncadd.s32 s3;
	_ =	sdelay $0x1  }
0xa1: {  	s23 =	simm.s32 $0x1B8B  }
0xa2: {  	_ =	swait.ge [sflag:s23], $0x1  }
0xa3: {  	[sflag:s23] =	ssyncset.done $0x0  }
0xa4: {  	s25 =	simm.s32 $0x1B8E;
	s24 =	sld [smem:$0x3FFE];
	[sflag:s23] =	ssyncadd.s32 $0xFFFFFFFF  }
0xa5: {  	s26 =	simm.s32 $execute0_lowered;
	[smem:$0x3FD2] =	sst s25  }
0xa6: {  	s4 =	sshll.u32 s26, $0x1;
	_ =	strace $0x8000004F;
	[dreg:$0x1] =	wrdreg $0xFFFFFFFF  }
0xa7: {  	s28 =	simm.s32 $_size_execute0_lowered;
	s2 =	sadd.s32 s2, s4;
	[dreg:$0x0] =	wrdreg $0x0  }
0xa8: {  	s4 =	sshll.u32 s28, $0x1;
	[dreg:$0x2] =	wrdreg s2  }
0xa9: {  	[dreg:$0x3] =	wrdreg s4  }
0xaa: {  	[dreg:$0x4] =	wrdreg $0xC0  }
0xab: {  	_ =	task [dreg:s6], $0x5FFFF  }
0xac: {  	[dreg:$0x1] =	wrdreg $0xFFFFFFFF  }
0xad: {  	[dreg:$0x0] =	wrdreg $0x60  }
0xae: {  	[dreg:$0x2] =	wrdreg s24  }
0xaf: {  	[dreg:$0x3] =	wrdreg $0x41000  }
0xb0: {  	[dreg:$0x4] =	wrdreg $0x9  }
0xb1: {  	_ =	task.clear_ibuf [dreg:s6], $0x5FFFF;
	_ =	strace $0x9000004F  }
0xb2: {  	s29 =	simm.s32 $0x9;
	_ =	strace $0x80000051  }
0xb3: {  	_ =	swait.ge [sflag:s29], $0x1  }
0xb4: {  	[sflag:s29] =	ssyncadd.s32 $0xFFFFFFFF  }
0xb5: {  	_ =	strace $0x90000051  }
0xb6: {  	_ =	sfence  }
0xb7: {  	s30 =	sld [smem:$0x0];
	_ =	sdelay $0x2  }
0xb8: {  	s31 =	sshll.u32 s1, $0xD;
	s1 =	sshrl.u32 s1, $0x2  }
0xb9: {  	s3 =	sand.u32 $0x4000, s31;
	s1 =	sadd.s32 s1, s30  }
0xba: {  	s0 =	sor.u32 s3, s0;
	s1 =	sshll.u32 s1, $0x11  }
0xbb: {  	s0 =	sor.u32 s1, s0  }
0xbc: {  	s0 =	sadd.s32 $0x8F2B, s0  }
0xbd: {  	[sflag:s0] =	ssyncadd.remote.s32 $0x1  }
0xbe: {  	_ =	sfence.sel $0xFFFF  }
0xbf: {  	[dreg:$0x0] =	wrdreg $0xFFFFFFFF;
	(pc) =	sbr.abs _section_cstart, $3  }
0xc0: {  	[dreg:$0x1] =	wrdreg $0xFFFFFFFF  }
0xc1: {  	_ =	task.clear_ibuf [dreg:s6], $0x2FFFF;
	_ =	strace $0x9FFFFFFF  }
0xc2: {  	(tm) =	ssettm $0x7FFFFFFF  }
0xc3: {  	_ =	shalt  }
tec
execute0_lowered:
.L_overlay_start_1:
0x0: {  	(tag) =	ssettag $0x1  }
0x1: {  	s6 =	rddreg [dreg:$0x0];
	s0 =	srdreg.scid  }
0x2: {  	s2 =	rddreg [dreg:$0x1];
	s1 =	stileid.u32;
	s3 =	simm.s32 $0x0  }
0x3: {  	s14 =	simm.s32 $0x100;
	s15 =	simm.s32 $0x1;
	s8 =	smul.u32 $0x14000, s1  }
0x4: {  	s7 =	sand.u32 $0x1, s0;
	s0 =	rddreg [dreg:$0x2];
	s10 =	smul.u32 $0x50000, s1  }
0x5: {  	s16 =	simm.s32 $0x0;
	[smem:$0x7FF] =	sst s3;
	s11 =	smul.u32 $0x4F0, s1  }
0x6: {  	s4 =	sadd.s32 $0x6A400, s6;
	s30 =	sshll.u32 s1, $0x6;
	s5 =	smul.u32 $0x140000, s7  }
0x7: {  	s9 =	smul.u32 $0x4F00, s7;
	_ =	strace $0x80000050;
	s29 =	ssub.s32 $0x2, s7  }
0x8: {  	s7 =	sshrl.u32 s29, $0x1;
	s10 =	sshrl.u32 s10, $0x2;
	s5 =	sadd.s32 s8, s5  }
0x9: {  	s26 =	sadd.s32 s9, s6;
	s12 =	ssub.s32 s29, s7;
	s13 =	sadd.s32 s10, s2  }
0xa: {  	s28 =	sshrl.u32 s5, $0x3;
	s5 =	sadd.s32 $0xD600, s6;
	s31 =	sadd.s32 s11, s26  }
0xb: {  	s8 =	smax.u32 s12, $0x1;
	s11 =	sshrl.u32 s13, $0x3;
	s12 =	simm.s32 $0x2  }
0xc: {  	s13 =	simm.s32 $0x80;
	s9 =	sadd.s32 s28, s6;
	s6 =	sor.u32 $0x1C02, s30  }
0xd: {  	s10 =	sadd.s32 $0x60600, s31;
	s7 =	sadd.s32 $0x92400, s9;
	s9 =	sadd.s32 $0x3800, s31  }
.LBB2_1:
0xe: {  	[spmem:s11], [sflag:s6] =	dma.local [hbm:s5], $0x2800  }
0xf: {  	_ =	swait.ge [sflag:s12], $0x2800  }
0x10: {  	[sflag:s12] =	ssyncset.done $0x0  }
0x11: {  	[sflag:s12] =	ssyncadd.s32 $0xFFFFD800  }
0x12: {  	s17 =	sadd.s32 $0x0, s10;
	[bflag:$0x0] =	sbarrier.arrive $0xFFFF  }
0x13: {  	[tilespmem:s3], [sflag:$0x2] =	stream.linear.gather [hbm4b:s17+s3], $0x80, $0x38;
	[tilespmem:$0x18100] =	vst v63  }
0x14: {  	_ =	swait.ge [sflag:s12], $0x80  }
0x15: {  	[sflag:s12] =	ssyncset.done $0x0  }
0x16: {  	s31 =	sadd.s32 $0x0, s9;
	[sflag:s12] =	ssyncadd.s32 $0xFFFFFF80  }
0x17: {  	[tilespmem:s13], [sflag:$0x2] =	stream.linear.gather [hbm4b:s31+s3], $0x80, $0x38;
	[tilespmem:$0x18100] =	vst v63  }
0x18: {  	_ =	swait.ge [sflag:s12], $0x80  }
0x19: {  	[sflag:s12] =	ssyncset.done $0x0  }
0x1a: {  	[sflag:s12] =	ssyncadd.s32 $0xFFFFFF80  }
0x1b: {  	[tilespmem:s14], [sflag:$0x1] =	stream.indirect.gather [hbm4b:s4+s13], $0x80, s3, s13, $0xb8;
	[tilespmem:$0x18100] =	vst v63  }
0x1c: {  	_ =	swait.ge [sflag:s15], $0x4000  }
0x1d: {  	[sflag:s15] =	ssyncset.done $0x0  }
0x1e: {  	[sflag:s15] =	ssyncadd.s32 $0xFFFFC000  }
0x1f: {  	[spmem:s2] =	stream.indirect.scatter.add.f32 [tilespmem:s14], [sflag:$0x2], $0x80, s13, s13, $0xb8;
	[tilespmem:$0x18100] =	vst v63  }
0x20: {  	_ =	swait.ge [sflag:s12], $0x4000  }
0x21: {  	s18 =	simm.s32 $0x20;
	s17 =	simm.s32 $0x10;
	[sflag:s12] =	ssyncset.done $0x0  }
.LBB2_2:
0x22: {  	s19 =	sadd.s32 s17, s10  }
0x23: {  	[sflag:s12] =	ssyncadd.s32 $0xFFFFC000;
	s20 =	smov.u32 s18;
	s21 =	sadd.s32 $0x10, s18  }
0x24: {  	[tilespmem:s3], [sflag:$0x2] =	stream.linear.gather [hbm4b:s19+s3], $0x80, $0x38;
	[tilespmem:$0x18100] =	vst v63  }
0x25: {  	p0 =	sne.s32 s18, $0x4E0;
	_ =	swait.ge [sflag:s12], $0x80  }
0x26: {  	[sflag:s12] =	ssyncset.done $0x0  }
0x27: {  	s18 =	sadd.s32 s17, s9;
	s17 =	smov.u32 s20;
	[sflag:s12] =	ssyncadd.s32 $0xFFFFFF80  }
0x28: {  	[tilespmem:s13], [sflag:$0x2] =	stream.linear.gather [hbm4b:s18+s3], $0x80, $0x38;
	[tilespmem:$0x18100] =	vst v63  }
0x29: {  	_ =	swait.ge [sflag:s12], $0x80  }
0x2a: {  	[sflag:s12] =	ssyncset.done $0x0  }
0x2b: {  	[sflag:s12] =	ssyncadd.s32 $0xFFFFFF80  }
0x2c: {  	[tilespmem:s14], [sflag:$0x1] =	stream.indirect.gather [hbm4b:s4+s13], $0x80, s3, s13, $0xb8;
	[tilespmem:$0x18100] =	vst v63  }
0x2d: {  	_ =	swait.ge [sflag:s15], $0x4000  }
.Ltmp0:
0x2e: {  	[sflag:s15] =	ssyncset.done $0x0;
	(pc) =	sbr.rel @p0 .LBB2_2-.Ltmp0, $4  }
0x2f: {  	[sflag:s15] =	ssyncadd.s32 $0xFFFFC000  }
0x30: {  	[spmem:s2] =	stream.indirect.scatter.add.f32 [tilespmem:s14], [sflag:$0x2], $0x80, s13, s13, $0xb8;
	[tilespmem:$0x18100] =	vst v63  }
0x31: {  	_ =	swait.ge [sflag:s12], $0x4000  }
0x32: {  	s18 =	smov.u32 s21;
	[sflag:s12] =	ssyncset.done $0x0  }
0x33: {  	s18 =	sadd.s32 s17, s10;
	[sflag:s12] =	ssyncadd.s32 $0xFFFFC000  }
0x34: {  	[tilespmem:s3], [sflag:$0x2] =	stream.linear.gather [hbm4b:s18+s3], $0x80, $0x38;
	[tilespmem:$0x18100] =	vst v63  }
0x35: {  	_ =	swait.ge [sflag:s12], $0x80  }
0x36: {  	[sflag:s12] =	ssyncset.done $0x0  }
0x37: {  	s31 =	sadd.s32 s17, s9;
	[sflag:s12] =	ssyncadd.s32 $0xFFFFFF80  }
0x38: {  	[tilespmem:s13], [sflag:$0x2] =	stream.linear.gather [hbm4b:s31+s3], $0x80, $0x38;
	[tilespmem:$0x18100] =	vst v63  }
0x39: {  	_ =	swait.ge [sflag:s12], $0x80  }
0x3a: {  	[sflag:s12] =	ssyncset.done $0x0  }
0x3b: {  	[sflag:s12] =	ssyncadd.s32 $0xFFFFFF80  }
0x3c: {  	[tilespmem:s14], [sflag:$0x1] =	stream.indirect.gather [hbm4b:s4+s13], $0x80, s3, s13, $0xb8;
	[tilespmem:$0x18100] =	vst v63  }
0x3d: {  	_ =	swait.ge [sflag:s15], $0x4000  }
0x3e: {  	[sflag:s15] =	ssyncset.done $0x0  }
0x3f: {  	[sflag:s15] =	ssyncadd.s32 $0xFFFFC000  }
0x40: {  	[spmem:s2] =	stream.indirect.scatter.add.f32 [tilespmem:s14], [sflag:$0x2], $0x80, s13, s13, $0xb8;
	[tilespmem:$0x18100] =	vst v63  }
0x41: {  	_ =	swait.ge [sflag:s12], $0x4000  }
0x42: {  	s16 =	sadd.s32 $0x1, s16;
	[sflag:s12] =	ssyncset.done $0x0  }
0x43: {  	p0 =	sne.s32 s16, s8;
	[sflag:s12] =	ssyncadd.s32 $0xFFFFC000  }
.Ltmp1:
0x44: {  	[bflag:$0x0] =	sbarrier.arrive $0xFFFF;
	(pc) =	sbr.rel @p0 .LBB2_1-.Ltmp1, $4  }
0x45: {  	[hbm:s7], [sflag:s6] =	dma.local [spmem:s11], $0x2800  }
0x46: {  	_ =	swait.ge [sflag:s12], $0x2800  }
0x47: {  	[sflag:s12] =	ssyncset.done $0x0  }
0x48: {  	[sflag:s12] =	ssyncadd.s32 $0xFFFFD800  }
0x49: {  	_ =	sfence.sel $0x180000  }
0x4a: {  	[bflag:$0x0] =	sbarrier.arrive $0xFFFF  }
0x4b: {  	p0 =	sne.s32 s1, $0x0;
	_ =	strace $0x90000050  }
0x4c: {  	s0 =	sadd.s32 @!p0 $0x100000, s0;
	[bflag:$0x2] =	sbarrier.arrive $0xFFFF  }
0x4d: {  	[sflag:s0] =	ssyncadd.tile.s32 @!p0 $0x1;
	_ =	shalt  }
.Lfunc_end2:
_tile_overlayer_lowered:
.L_overlay_start_2:
0x4e: {  	(tag) =	ssettag $0x2  }
0x4f: {  	s0 =	rddreg [dreg:$0x0];
	s2 =	stileid.u32  }
0x50: {  	s1 =	rddreg [dreg:$0x1];
	p0 =	sne.s32 s2, $0x0  }
0x51: {  	s3 =	rddreg [dreg:$0x2];
	[bflag:$0x3] =	sbarrier.arrive $0xFFFF;
	s2 =	simm.s32 @!p0 $0x1C02  }
0x52: {  	[timem:s3], [sflag:s2] =	dma.local @!p0 [hbm:s0], s1  }
0x53: {  	s0 =	simm.s32 @!p0 $0x2  }
0x54: {  	_ =	swait.ge @!p0 [sflag:s0], s1  }
0x55: {  	s1 =	ssub.s32 @!p0 $0x0, s1;
	[sflag:s0] =	ssyncset.done @!p0 $0x0  }
0x56: {  	[sflag:s0] =	ssyncadd.s32 @!p0 s1  }
0x57: {  	[bflag:$0x3] =	sbarrier.arrive $0xFFFF  }
0x58: {  	_ =	shalt  }

// kernel: kernel.24.cloned.1.call-start
scs
__scs_entry_jumppad:
0x0: {  	(pc) =	sbr.rel $0x88, $3  }
0x1: {  	(tag) =	ssettag $0x0;
	lr =	simm.s32 $0x1  }
0x2: {  	[smem:$0x3F96] =	sst lr;
	_ =	strace $0xD0000000  }
0x3: {  	_ = 	snop  }
0x4: {  	_ = 	snop  }
0x5: {  	_ = 	snop  }
0x6: {  	_ = 	snop  }
0x7: {  	_ = 	snop  }
__scs_overlays_trampoline_lowered:
0x8: {  	[smem:$0x3FA5] =	sst s0  }
0x9: {  	[smem:$0x3FA6] =	sst s1  }
0xa: {  	[smem:$0x3FA7] =	sst s2  }
0xb: {  	[smem:$0x3FA8] =	sst s3  }
0xc: {  	[smem:$0x3FA9] =	sst s4  }
0xd: {  	[smem:$0x3FAA] =	sst s5  }
0xe: {  	[smem:$0x3FAB] =	sst s6  }
0xf: {  	[smem:$0x3FAC] =	sst s7  }
0x10: {  	[smem:$0x3FAD] =	sst s8  }
0x11: {  	[smem:$0x3FAE] =	sst s9;
	s0 =	simm.s32 @!p0 $0x0  }
0x12: {  	s1 =	sld [smem:$0x3F94];
	s0 =	simm.s32 @p0 $0x1  }
0x13: {  	[smem:$0x3FAF] =	sst s0;
	s0 =	simm.s32 @!p1 $0x0  }
0x14: {  	s2 =	sld [smem:$0x3F93];
	s0 =	simm.s32 @p1 $0x1  }
0x15: {  	[smem:$0x3FB0] =	sst s0;
	s0 =	simm.s32 @!p2 $0x0  }
0x16: {  	s3 =	sld [smem:$0x3FDB];
	s0 =	simm.s32 @p2 $0x1  }
0x17: {  	s4 =	simm.s32 $0x1BF5;
	[smem:$0x3FB2] =	sst s0  }
0x18: {  	s0 =	sld [smem:$0x3F95];
	_ =	swait.ge [sflag:s4], $0x0  }
0x19: {  	s7 =	sld [smem:$0x3F96]  }
0x1a: {  	s8 =	sadd.s32 $0xFFFFE003, lr  }
0x1b: {  	s9 =	sadd.s32 $0xFFFFFEF7, lr;
	s5 =	simm.s32 $0xFFFFFFFF;
	p2 =	slt.u32 s8, $0xFFFFF086  }
0x1c: {  	p1 =	slt.u32 s9, $0xF7A;
	s5 =	simm.s32 @!p2 $0x0  }
0x1d: {  	s5 =	simm.s32 @p1 $0x1;
	p0 =	seq.s32 s7, s2  }
0x1e: {  	s7 =	smul.u32 @!p0 $0xF7A, s2;
	p2 =	seq.s32 @!p0 s5, $0x0  }
0x1f: {  	s9 =	smul.u32 $0xF7A, s1;
	s8 =	simm.s32 @!p0 $0x1BF5;
	p2 =	por !p2, p0  }
0x20: {  	[sflag:s8] =	ssyncset.s32 @!p0 $0xFFFFF086;
	s6 =	sadd.s32 @!p0 s3, s7;
	s7 =	simm.s32 @!p0 $0x108  }
0x21: {  	s3 =	sadd.s32 s3, s9;
	s6 =	sadd.s32 @!p0 $0x88, s6;
	s7 =	simm.s32 @p2 $0x1082  }
0x22: {  	[simem:s7], [sflag:s8] =	dma.local @!p0 [hbm:s6], $0xF7A  }
0x23: {  	s9 =	sor.u32 $0xD0000000, s2;
	s6 =	simm.s32 $0x108;
	_ =	swait.ge @!p0 [sflag:s8], $0x0  }
0x24: {  	s3 =	sadd.s32 $0x88, s3;
	s6 =	simm.s32 @!p1 $0x1082;
	[sflag:s4] =	ssyncset.s32 $0xFFFFF086  }
0x25: {  	[simem:s6], [sflag:s4] =	dma.local [hbm:s3], $0xF7A  }
0x26: {  	[smem:$0x3F96] =	sst s1;
	(tag) =	ssettag s2;
	_ =	strace s9  }
0x27: {  	s1 =	sld [smem:$0x3FA6]  }
0x28: {  	s2 =	sld [smem:$0x3FA7]  }
0x29: {  	s4 =	sld [smem:$0x3FA9]  }
0x2a: {  	p0 =	seq.s32 s5, $0x0;
	s5 =	sld [smem:$0x3FAA]  }
0x2b: {  	s6 =	sld [smem:$0x3FAB]  }
0x2c: {  	s7 =	sld [smem:$0x3FAC]  }
0x2d: {  	s3 =	simm.s32 $0x108;
	s8 =	sld [smem:$0x3FAD]  }
0x2e: {  	s3 =	simm.s32 @!p0 $0x1082;
	s9 =	sld [smem:$0x3FAE]  }
0x2f: {  	lr =	sadd.s32 s0, s3;
	s0 =	sld [smem:$0x3FA5]  }
0x30: {  	s3 =	sld [smem:$0x3FA8]  }
0x31: {  	[smem:$0x3FB1] =	sst s10  }
0x32: {  	s10 =	sld [smem:$0x3FAF];
	_ =	sdelay $0x3  }
0x33: {  	p0 =	seq.s32 s10, $0x1;
	s10 =	sld [smem:$0x3FB1];
	_ =	sdelay $0x3  }
0x34: {  	[smem:$0x3FB1] =	sst s10  }
0x35: {  	s10 =	sld [smem:$0x3FB0];
	_ =	sdelay $0x3  }
0x36: {  	p1 =	seq.s32 s10, $0x1;
	s10 =	sld [smem:$0x3FB1];
	_ =	sdelay $0x3  }
0x37: {  	[smem:$0x3FB1] =	sst s10  }
0x38: {  	s10 =	sld [smem:$0x3FB2]  }
0x39: {  	_ = 	snop;
	(pc) =	sbr.ind lr, $3  }
0x3a: {  	_ = 	snop  }
0x3b: {  	_ = 	snop  }
0x3c: {  	p2 =	seq.s32 s10, $0x1;
	s10 =	sld [smem:$0x3FB1]  }
0x3d: {  	_ =	shalt  }
0x3e: {  	_ =	shalt  }
0x3f: {  	_ =	shalt  }
0x40: {  	_ =	shalt  }
0x41: {  	_ =	shalt  }
0x42: {  	_ =	shalt  }
0x43: {  	_ =	shalt  }
0x44: {  	_ =	shalt  }
0x45: {  	_ =	shalt  }
0x46: {  	_ =	shalt  }
0x47: {  	_ =	shalt  }
0x48: {  	_ =	shalt  }
0x49: {  	_ =	shalt  }
0x4a: {  	_ =	shalt  }
0x4b: {  	_ =	shalt  }
0x4c: {  	_ =	shalt  }
0x4d: {  	_ =	shalt  }
0x4e: {  	_ =	shalt  }
0x4f: {  	_ =	shalt  }
0x50: {  	_ =	shalt  }
0x51: {  	_ =	shalt  }
0x52: {  	_ =	shalt  }
0x53: {  	_ =	shalt  }
0x54: {  	_ =	shalt  }
0x55: {  	_ =	shalt  }
0x56: {  	_ =	shalt  }
0x57: {  	_ =	shalt  }
0x58: {  	_ =	shalt  }
0x59: {  	_ =	shalt  }
0x5a: {  	_ =	shalt  }
0x5b: {  	_ =	shalt  }
0x5c: {  	_ =	shalt  }
0x5d: {  	_ =	shalt  }
0x5e: {  	_ =	shalt  }
0x5f: {  	_ =	shalt  }
0x60: {  	_ =	shalt  }
0x61: {  	_ =	shalt  }
0x62: {  	_ =	shalt  }
0x63: {  	_ =	shalt  }
0x64: {  	_ =	shalt  }
0x65: {  	_ =	shalt  }
0x66: {  	_ =	shalt  }
0x67: {  	_ =	shalt  }
0x68: {  	_ =	shalt  }
0x69: {  	_ =	shalt  }
0x6a: {  	_ =	shalt  }
0x6b: {  	_ =	shalt  }
0x6c: {  	_ =	shalt  }
0x6d: {  	_ =	shalt  }
0x6e: {  	_ =	shalt  }
0x6f: {  	_ =	shalt  }
0x70: {  	_ =	shalt  }
0x71: {  	_ =	shalt  }
0x72: {  	_ =	shalt  }
0x73: {  	_ =	shalt  }
0x74: {  	_ =	shalt  }
0x75: {  	_ =	shalt  }
0x76: {  	_ =	shalt  }
0x77: {  	_ =	shalt  }
0x78: {  	_ =	shalt  }
0x79: {  	_ =	shalt  }
0x7a: {  	_ =	shalt  }
0x7b: {  	_ =	shalt  }
0x7c: {  	_ =	shalt  }
0x7d: {  	_ =	shalt  }
0x7e: {  	_ =	shalt  }
0x7f: {  	_ =	shalt  }
0x80: {  	_ =	shalt  }
0x81: {  	_ =	shalt  }
0x82: {  	_ =	shalt  }
0x83: {  	_ =	shalt  }
0x84: {  	_ =	shalt  }
0x85: {  	_ =	shalt  }
0x86: {  	_ =	shalt  }
0x87: {  	_ =	shalt  }
.Lfunc_end0:
.L_simem_size_0:
called_computation.4_lowered:
.L_overlay_start_0:
0x88: {  	s2 =	sld [smem:$0x3FD9]  }
0x89: {  	s3 =	sld [smem:$0x3FFE];
	_ =	sdelay $0x1  }
0x8a: {  	s1 =	srdreg.scid  }
0x8b: {  	s0 =	sand.u32 $0x1, s1  }
0x8c: {  	s16 =	sshll.u32 s0, $0xA;
	s2 =	sadd.s32 s3, s2  }
0x8d: {  	s2 =	sadd.s32 s2, s16  }
0x8e: {  	[smem:$0x3FBD] =	sst s2  }
0x8f: {  	_ = 	snop  }
0x90: {  	(tm) =	ssettm $0x1  }
0x91: {  	s17 =	sld [smem:$0x3FFB];
	_ =	sdelay $0x3  }
0x92: {  	_ =	strace s17  }
0x93: {  	s2 =	sld [smem:$0x3FFC];
	_ =	sdelay $0x3  }
0x94: {  	_ =	strace s2  }
0x95: {  	s2 =	sld [smem:$0x3FFD];
	_ =	sdelay $0x3  }
0x96: {  	_ =	strace s2  }
0x97: {  	_ =	strace $0x8FFFFFFF  }
0x98: {  	s18 =	sld [smem:$0x3FDB];
	_ =	sdelay $0x1  }
0x99: {  	s19 =	simm.s32 $_scs_section_size  }
0x9a: {  	s4 =	simm.s32 $_size__tile_overlayer_lowered;
	s5 =	simm.s32 $_tile_overlayer_lowered  }
0x9b: {  	s22 =	simm.s32 $0x1BFF;
	s21 =	sshll.u32 s5, $0x1;
	s2 =	sadd.s32 s19, s18  }
0x9c: {  	s6 =	simm.s32 $0x0;
	s20 =	sshll.u32 s4, $0x1;
	s4 =	sadd.s32 s21, s2  }
0x9d: {  	[timem:s6], [sflag:s22] =	dma.local [hbm:s4], s20  }
0x9e: {  	_ =	swait.ge [sflag:s22], s20  }
0x9f: {  	s3 =	ssub.s32 $0x0, s20;
	[sflag:s22] =	ssyncset.done $0x0  }
0xa0: {  	[sflag:s22] =	ssyncadd.s32 s3;
	_ =	sdelay $0x1  }
0xa1: {  	s23 =	simm.s32 $0x1B8B  }
0xa2: {  	_ =	swait.ge [sflag:s23], $0x1  }
0xa3: {  	[sflag:s23] =	ssyncset.done $0x0  }
0xa4: {  	s25 =	simm.s32 $0x1B8E;
	s24 =	sld [smem:$0x3FFE];
	[sflag:s23] =	ssyncadd.s32 $0xFFFFFFFF  }
0xa5: {  	s26 =	simm.s32 $execute0_lowered;
	[smem:$0x3FD2] =	sst s25  }
0xa6: {  	s4 =	sshll.u32 s26, $0x1;
	_ =	strace $0x80000052;
	[dreg:$0x1] =	wrdreg $0xFFFFFFFF  }
0xa7: {  	s28 =	simm.s32 $_size_execute0_lowered;
	s2 =	sadd.s32 s2, s4;
	[dreg:$0x0] =	wrdreg $0x0  }
0xa8: {  	s4 =	sshll.u32 s28, $0x1;
	[dreg:$0x2] =	wrdreg s2  }
0xa9: {  	[dreg:$0x3] =	wrdreg s4  }
0xaa: {  	[dreg:$0x4] =	wrdreg $0xC0  }
0xab: {  	_ =	task [dreg:s6], $0x5FFFF  }
0xac: {  	[dreg:$0x1] =	wrdreg $0xFFFFFFFF  }
0xad: {  	[dreg:$0x0] =	wrdreg $0x60  }
0xae: {  	[dreg:$0x2] =	wrdreg s24  }
0xaf: {  	[dreg:$0x3] =	wrdreg $0x41000  }
0xb0: {  	[dreg:$0x4] =	wrdreg $0x9  }
0xb1: {  	_ =	task.clear_ibuf [dreg:s6], $0x5FFFF;
	_ =	strace $0x90000052  }
0xb2: {  	s29 =	simm.s32 $0x9;
	_ =	strace $0x80000054  }
0xb3: {  	_ =	swait.ge [sflag:s29], $0x1  }
0xb4: {  	[sflag:s29] =	ssyncadd.s32 $0xFFFFFFFF  }
0xb5: {  	_ =	strace $0x90000054  }
0xb6: {  	_ =	sfence  }
0xb7: {  	s30 =	sld [smem:$0x0];
	_ =	sdelay $0x2  }
0xb8: {  	s31 =	sshll.u32 s1, $0xD;
	s1 =	sshrl.u32 s1, $0x2  }
0xb9: {  	s3 =	sand.u32 $0x4000, s31;
	s1 =	sadd.s32 s1, s30  }
0xba: {  	s0 =	sor.u32 s3, s0;
	s1 =	sshll.u32 s1, $0x11  }
0xbb: {  	s0 =	sor.u32 s1, s0  }
0xbc: {  	s0 =	sadd.s32 $0x8F2B, s0  }
0xbd: {  	[sflag:s0] =	ssyncadd.remote.s32 $0x1  }
0xbe: {  	_ =	sfence.sel $0xFFFF  }
0xbf: {  	[dreg:$0x0] =	wrdreg $0xFFFFFFFF;
	(pc) =	sbr.abs _section_cstart, $3  }
0xc0: {  	[dreg:$0x1] =	wrdreg $0xFFFFFFFF  }
0xc1: {  	_ =	task.clear_ibuf [dreg:s6], $0x2FFFF;
	_ =	strace $0x9FFFFFFF  }
0xc2: {  	(tm) =	ssettm $0x7FFFFFFF  }
0xc3: {  	_ =	shalt  }
tec
execute0_lowered:
.L_overlay_start_1:
0x0: {  	(tag) =	ssettag $0x1  }
0x1: {  	s6 =	rddreg [dreg:$0x0];
	s0 =	srdreg.scid  }
0x2: {  	s2 =	rddreg [dreg:$0x1];
	s1 =	stileid.u32;
	s3 =	simm.s32 $0x0  }
0x3: {  	s14 =	simm.s32 $0x100;
	s15 =	simm.s32 $0x1;
	s8 =	smul.u32 $0x14000, s1  }
0x4: {  	s7 =	sand.u32 $0x1, s0;
	s0 =	rddreg [dreg:$0x2];
	s10 =	smul.u32 $0x50000, s1  }
0x5: {  	s16 =	simm.s32 $0x0;
	[smem:$0x7FF] =	sst s3;
	s11 =	smul.u32 $0x4F0, s1  }
0x6: {  	s4 =	sadd.s32 $0x6A400, s6;
	s30 =	sshll.u32 s1, $0x6;
	s5 =	smul.u32 $0x140000, s7  }
0x7: {  	s9 =	smul.u32 $0x4F00, s7;
	_ =	strace $0x80000053;
	s29 =	ssub.s32 $0x2, s7  }
0x8: {  	s7 =	sshrl.u32 s29, $0x1;
	s10 =	sshrl.u32 s10, $0x2;
	s5 =	sadd.s32 s8, s5  }
0x9: {  	s26 =	sadd.s32 s9, s6;
	s12 =	ssub.s32 s29, s7;
	s13 =	sadd.s32 s10, s2  }
0xa: {  	s28 =	sshrl.u32 s5, $0x3;
	s5 =	sadd.s32 $0xD600, s6;
	s31 =	sadd.s32 s11, s26  }
0xb: {  	s8 =	smax.u32 s12, $0x1;
	s11 =	sshrl.u32 s13, $0x3;
	s12 =	simm.s32 $0x2  }
0xc: {  	s13 =	simm.s32 $0x80;
	s9 =	sadd.s32 s28, s6;
	s6 =	sor.u32 $0x1C02, s30  }
0xd: {  	s10 =	sadd.s32 $0x60600, s31;
	s7 =	sadd.s32 $0x92400, s9;
	s9 =	sadd.s32 $0x3800, s31  }
.LBB2_1:
0xe: {  	[spmem:s11], [sflag:s6] =	dma.local [hbm:s5], $0x2800  }
0xf: {  	_ =	swait.ge [sflag:s12], $0x2800  }
0x10: {  	[sflag:s12] =	ssyncset.done $0x0  }
0x11: {  	[sflag:s12] =	ssyncadd.s32 $0xFFFFD800  }
0x12: {  	s17 =	sadd.s32 $0x0, s10;
	[bflag:$0x0] =	sbarrier.arrive $0xFFFF  }
0x13: {  	[tilespmem:s3], [sflag:$0x2] =	stream.linear.gather [hbm4b:s17+s3], $0x80, $0x38;
	[tilespmem:$0x18100] =	vst v63  }
0x14: {  	_ =	swait.ge [sflag:s12], $0x80  }
0x15: {  	[sflag:s12] =	ssyncset.done $0x0  }
0x16: {  	s31 =	sadd.s32 $0x0, s9;
	[sflag:s12] =	ssyncadd.s32 $0xFFFFFF80  }
0x17: {  	[tilespmem:s13], [sflag:$0x2] =	stream.linear.gather [hbm4b:s31+s3], $0x80, $0x38;
	[tilespmem:$0x18100] =	vst v63  }
0x18: {  	_ =	swait.ge [sflag:s12], $0x80  }
0x19: {  	[sflag:s12] =	ssyncset.done $0x0  }
0x1a: {  	[sflag:s12] =	ssyncadd.s32 $0xFFFFFF80  }
0x1b: {  	[tilespmem:s14], [sflag:$0x1] =	stream.indirect.gather [hbm4b:s4+s13], $0x80, s3, s13, $0xb8;
	[tilespmem:$0x18100] =	vst v63  }
0x1c: {  	_ =	swait.ge [sflag:s15], $0x4000  }
0x1d: {  	[sflag:s15] =	ssyncset.done $0x0  }
0x1e: {  	[sflag:s15] =	ssyncadd.s32 $0xFFFFC000  }
0x1f: {  	[spmem:s2] =	stream.indirect.scatter.add.f32 [tilespmem:s14], [sflag:$0x2], $0x80, s13, s13, $0xb8;
	[tilespmem:$0x18100] =	vst v63  }
0x20: {  	_ =	swait.ge [sflag:s12], $0x4000  }
0x21: {  	s18 =	simm.s32 $0x20;
	s17 =	simm.s32 $0x10;
	[sflag:s12] =	ssyncset.done $0x0  }
.LBB2_2:
0x22: {  	s19 =	sadd.s32 s17, s10  }
0x23: {  	[sflag:s12] =	ssyncadd.s32 $0xFFFFC000;
	s20 =	smov.u32 s18;
	s21 =	sadd.s32 $0x10, s18  }
0x24: {  	[tilespmem:s3], [sflag:$0x2] =	stream.linear.gather [hbm4b:s19+s3], $0x80, $0x38;
	[tilespmem:$0x18100] =	vst v63  }
0x25: {  	p0 =	sne.s32 s18, $0x4E0;
	_ =	swait.ge [sflag:s12], $0x80  }
0x26: {  	[sflag:s12] =	ssyncset.done $0x0  }
0x27: {  	s18 =	sadd.s32 s17, s9;
	s17 =	smov.u32 s20;
	[sflag:s12] =	ssyncadd.s32 $0xFFFFFF80  }
0x28: {  	[tilespmem:s13], [sflag:$0x2] =	stream.linear.gather [hbm4b:s18+s3], $0x80, $0x38;
	[tilespmem:$0x18100] =	vst v63  }
0x29: {  	_ =	swait.ge [sflag:s12], $0x80  }
0x2a: {  	[sflag:s12] =	ssyncset.done $0x0  }
0x2b: {  	[sflag:s12] =	ssyncadd.s32 $0xFFFFFF80  }
0x2c: {  	[tilespmem:s14], [sflag:$0x1] =	stream.indirect.gather [hbm4b:s4+s13], $0x80, s3, s13, $0xb8;
	[tilespmem:$0x18100] =	vst v63  }
0x2d: {  	_ =	swait.ge [sflag:s15], $0x4000  }
.Ltmp0:
0x2e: {  	[sflag:s15] =	ssyncset.done $0x0;
	(pc) =	sbr.rel @p0 .LBB2_2-.Ltmp0, $4  }
0x2f: {  	[sflag:s15] =	ssyncadd.s32 $0xFFFFC000  }
0x30: {  	[spmem:s2] =	stream.indirect.scatter.add.f32 [tilespmem:s14], [sflag:$0x2], $0x80, s13, s13, $0xb8;
	[tilespmem:$0x18100] =	vst v63  }
0x31: {  	_ =	swait.ge [sflag:s12], $0x4000  }
0x32: {  	s18 =	smov.u32 s21;
	[sflag:s12] =	ssyncset.done $0x0  }
0x33: {  	s18 =	sadd.s32 s17, s10;
	[sflag:s12] =	ssyncadd.s32 $0xFFFFC000  }
0x34: {  	[tilespmem:s3], [sflag:$0x2] =	stream.linear.gather [hbm4b:s18+s3], $0x80, $0x38;
	[tilespmem:$0x18100] =	vst v63  }
0x35: {  	_ =	swait.ge [sflag:s12], $0x80  }
0x36: {  	[sflag:s12] =	ssyncset.done $0x0  }
0x37: {  	s31 =	sadd.s32 s17, s9;
	[sflag:s12] =	ssyncadd.s32 $0xFFFFFF80  }
0x38: {  	[tilespmem:s13], [sflag:$0x2] =	stream.linear.gather [hbm4b:s31+s3], $0x80, $0x38;
	[tilespmem:$0x18100] =	vst v63  }
0x39: {  	_ =	swait.ge [sflag:s12], $0x80  }
0x3a: {  	[sflag:s12] =	ssyncset.done $0x0  }
0x3b: {  	[sflag:s12] =	ssyncadd.s32 $0xFFFFFF80  }
0x3c: {  	[tilespmem:s14], [sflag:$0x1] =	stream.indirect.gather [hbm4b:s4+s13], $0x80, s3, s13, $0xb8;
	[tilespmem:$0x18100] =	vst v63  }
0x3d: {  	_ =	swait.ge [sflag:s15], $0x4000  }
0x3e: {  	[sflag:s15] =	ssyncset.done $0x0  }
0x3f: {  	[sflag:s15] =	ssyncadd.s32 $0xFFFFC000  }
0x40: {  	[spmem:s2] =	stream.indirect.scatter.add.f32 [tilespmem:s14], [sflag:$0x2], $0x80, s13, s13, $0xb8;
	[tilespmem:$0x18100] =	vst v63  }
0x41: {  	_ =	swait.ge [sflag:s12], $0x4000  }
0x42: {  	s16 =	sadd.s32 $0x1, s16;
	[sflag:s12] =	ssyncset.done $0x0  }
0x43: {  	p0 =	sne.s32 s16, s8;
	[sflag:s12] =	ssyncadd.s32 $0xFFFFC000  }
.Ltmp1:
0x44: {  	[bflag:$0x0] =	sbarrier.arrive $0xFFFF;
	(pc) =	sbr.rel @p0 .LBB2_1-.Ltmp1, $4  }
0x45: {  	[hbm:s7], [sflag:s6] =	dma.local [spmem:s11], $0x2800  }
0x46: {  	_ =	swait.ge [sflag:s12], $0x2800  }
0x47: {  	[sflag:s12] =	ssyncset.done $0x0  }
0x48: {  	[sflag:s12] =	ssyncadd.s32 $0xFFFFD800  }
0x49: {  	_ =	sfence.sel $0x180000  }
0x4a: {  	[bflag:$0x0] =	sbarrier.arrive $0xFFFF  }
0x4b: {  	p0 =	sne.s32 s1, $0x0;
	_ =	strace $0x90000053  }
0x4c: {  	s0 =	sadd.s32 @!p0 $0x100000, s0;
	[bflag:$0x2] =	sbarrier.arrive $0xFFFF  }
0x4d: {  	[sflag:s0] =	ssyncadd.tile.s32 @!p0 $0x1;
	_ =	shalt  }
.Lfunc_end2:
_tile_overlayer_lowered:
.L_overlay_start_2:
0x4e: {  	(tag) =	ssettag $0x2  }
0x4f: {  	s0 =	rddreg [dreg:$0x0];
	s2 =	stileid.u32  }
0x50: {  	s1 =	rddreg [dreg:$0x1];
	p0 =	sne.s32 s2, $0x0  }
0x51: {  	s3 =	rddreg [dreg:$0x2];
	[bflag:$0x3] =	sbarrier.arrive $0xFFFF;
	s2 =	simm.s32 @!p0 $0x1C02  }
0x52: {  	[timem:s3], [sflag:s2] =	dma.local @!p0 [hbm:s0], s1  }
0x53: {  	s0 =	simm.s32 @!p0 $0x2  }
0x54: {  	_ =	swait.ge @!p0 [sflag:s0], s1  }
0x55: {  	s1 =	ssub.s32 @!p0 $0x0, s1;
	[sflag:s0] =	ssyncset.done @!p0 $0x0  }
0x56: {  	[sflag:s0] =	ssyncadd.s32 @!p0 s1  }
0x57: {  	[bflag:$0x3] =	sbarrier.arrive $0xFFFF  }
0x58: {  	_ =	shalt  }

</sc_bundles>
